<compile_context>
chip_gen: v7x
topology: tpu7x:2x2x1
jax: 0.10.2.dev20260603
libtpu: 0.0.44.dev20260713+nightly
codegen_flags: <defaults>
</compile_context>

<pallas_src>
import functools

import jax
import jax.numpy as jnp
from jax import lax
from jax.experimental import pallas as pl
from jax.experimental.pallas import tpu as pltpu
from jax.experimental.pallas import tpu_sc as plsc

B, C, N, K = 8, 64, 4096, 20
KPAD = 32
TN = 512
A = 5



def _topk_body(xf_ref, q_ref, idx_ref):
    xf = xf_ref[0]
    q = q_ref[0]
    inner = -2.0 * lax.dot_general(
        q, xf, (((0,), (0,)), ((), ())),
        preferred_element_type=jnp.float32,
    )
    xx = jnp.sum(xf * xf, axis=0)[None, :]
    qq = jnp.sum(q * q, axis=0)[:, None]
    dist = (-xx) - inner - qq

    neginf = jnp.float32(-jnp.inf)

    SR = N // 128
    d3 = dist.reshape(TN, SR, 128)
    srow = lax.broadcasted_iota(jnp.int32, (TN, SR, 128), 1)
    vals, idxs = [], []
    for _ in range(A):
        m = jnp.max(d3, axis=1)
        cand = jnp.where(d3 == m[:, None, :], srow, jnp.int32(SR))
        ci = jnp.min(cand, axis=1)
        d3 = jnp.where(srow == ci[:, None, :], neginf, d3)
        vals.append(m)
        idxs.append(ci)
    lane128 = lax.broadcasted_iota(jnp.int32, (TN, 128), 1)
    val_pool = jnp.concatenate(vals, axis=1)
    idx_pool = jnp.concatenate([i * 128 + lane128 for i in idxs], axis=1)

    lane = lax.broadcasted_iota(jnp.int32, (TN, KPAD), 1)

    def step(kk, carry):
        vp, acc = carry
        m = jnp.max(vp, axis=1, keepdims=True)
        eq = vp == m
        sel = jnp.min(jnp.where(eq, idx_pool, jnp.int32(N)),
                      axis=1, keepdims=True)
        acc = jnp.where(lane == kk, sel, acc)
        vp = jnp.where(eq & (idx_pool == sel), neginf, vp)
        return vp, acc

    _, acc = lax.fori_loop(
        0, K, step, (val_pool, jnp.zeros((TN, KPAD), jnp.int32)))
    idx_ref[0] = acc


def _topk_idx(x):
    return pl.pallas_call(
        _topk_body,
        grid=(B, N // TN),
        in_specs=[
            pl.BlockSpec((1, C, N), lambda b, i: (b, 0, 0)),
            pl.BlockSpec((1, C, TN), lambda b, i: (b, 0, i)),
        ],
        out_specs=pl.BlockSpec((1, TN, KPAD), lambda b, i: (b, i, 0)),
        out_shape=jax.ShapeDtypeStruct((B, N, KPAD), jnp.int32),
    )(x, x)



NC = 2
NS = 16
NW = NC * NS
WPB = NW // B
RPW = N // WPB
JSPAN = RPW * K
GROUPS = JSPAN // 16
UNROLL = 8


def _sc_body(xflat, idxf, rep, out, idx_v, rep_v, xrow_v, diff_v, ctr_v):
    wid = lax.axis_index("s") * NC + lax.axis_index("c")
    b = wid // WPB
    j0 = (wid % WPB) * JSPAN

    pltpu.sync_copy(idxf.at[b, pl.ds(j0, JSPAN)], idx_v)
    pltpu.sync_copy(rep.at[pl.ds(j0, JSPAN)], rep_v)

    def c_loop(c, carry):
        pltpu.sync_copy(xflat.at[b * C + c, :], xrow_v)

        def g_loop(g, carry2):
            base = g * 16 * UNROLL
            for u in range(UNROLL):
                off = base + u * 16
                ids = idx_v[pl.ds(off, 16)]
                reps = rep_v[pl.ds(off, 16)]
                nb = plsc.load_gather(xrow_v, [ids])
                ct = plsc.load_gather(xrow_v, [reps])
                diff_v[pl.ds(off, 16)] = nb - ct
                ctr_v[pl.ds(off, 16)] = ct
            return carry2

        lax.fori_loop(0, GROUPS // UNROLL, g_loop, 0)
        pltpu.sync_copy(diff_v, out.at[b * 2 * C + c, pl.ds(j0, JSPAN)])
        pltpu.sync_copy(ctr_v, out.at[b * 2 * C + C + c, pl.ds(j0, JSPAN)])
        return carry

    lax.fori_loop(0, C, c_loop, 0)


@functools.cache
def _sc_gather():
    return pl.kernel(
        _sc_body,
        out_type=jax.ShapeDtypeStruct((B * 2 * C, N * K), jnp.float32),
        mesh=plsc.VectorSubcoreMesh(core_axis_name="c", subcore_axis_name="s"),
        compiler_params=pltpu.CompilerParams(needs_layout_passes=False),
        scratch_types=[
            pltpu.VMEM((JSPAN,), jnp.int32),
            pltpu.VMEM((JSPAN,), jnp.int32),
            pltpu.VMEM((N,), jnp.float32),
            pltpu.VMEM((JSPAN,), jnp.float32),
            pltpu.VMEM((JSPAN,), jnp.float32),
        ],
    )




def kernel(x, k):
    idx32 = _topk_idx(x)
    shift = jnp.asarray(k, jnp.int32) - K
    idxf = idx32[:, :, :K].reshape(B, N * K) + shift
    idxf = jnp.clip(idxf, 0, N - 1)
    rep = jnp.arange(N * K, dtype=jnp.int32) // K
    out = _sc_gather()(x.reshape(B * C, N), idxf, rep)
    return out.reshape(B, 2 * C, N, K)

# --- scband reference (transcript-rebuilt; emitter-appended) ---
"""Pipeline reference for scband-dgcnn-54099408060835 (READ-ONLY COPY).

The authoritative reference and input builder live on the scoring server;
editing this copy changes nothing except your own understanding.
"""

import jax, jax.numpy as jnp
import numpy as np


def setup_inputs(seed: int = 0) -> dict:
    key = jax.random.key(seed)
    x = jax.random.normal(key, (8, 64, 4096), dtype=jnp.float32)
    return {"x": x, "k": 20}


def reference(x, k):
    # knn(x, k): pairwise squared-distance via matmul, then top-k indices
    B, C, N = x.shape
    K = 20
    inner = -2.0 * jnp.einsum('bcn,bcm->bnm', x, x)          # -2 * x^T x, [B, N, N]
    xx = jnp.sum(x ** 2, axis=1, keepdims=True)               # [B, 1, N]
    pairwise_distance = -xx - inner - jnp.transpose(xx, (0, 2, 1))  # [B, N, N]
    _, idx = jax.lax.top_k(pairwise_distance, K)              # [B, N, k]
    idx = idx + jnp.asarray(k - K, dtype=idx.dtype)

    # get_graph_feature: gather neighbor features and build edge features
    idx_base = jnp.arange(B, dtype=idx.dtype).reshape(-1, 1, 1) * N
    idx_flat = (idx + idx_base).reshape(-1)                   # [B*N*k]
    x_t = jnp.transpose(x, (0, 2, 1))                         # [B, N, C]
    flat = x_t.reshape(B * N, C)
    feature = jnp.take(flat, idx_flat, axis=0).reshape(B, N, K, C)
    x_rep = jnp.broadcast_to(x_t[:, :, None, :], (B, N, K, C))
    feature = jnp.concatenate([feature - x_rep, x_rep], axis=3)  # [B, N, k, 2C]
    feature = jnp.transpose(feature, (0, 3, 1, 2))               # [B, 2C, N, k]
    return feature

if __name__ == "__main__":
    import jax
    _d = setup_inputs()
    print(jax.jit(kernel)(*tuple(_d.values())))

</pallas_src>

<mosaic_0001>
#map = affine_map<(d0, d1) -> (0, 0)>
#map1 = affine_map<(d0, d1) -> (0)>
module attributes {stable_mosaic.version = 14 : i64} {
  func.func @_sc_body(%arg0: i32, %arg1: i32, %arg2: memref<512x4096xf32, #tpu.memory_space<hbm>>, %arg3: memref<8x81920xi32, #tpu.memory_space<hbm>>, %arg4: memref<81920xi32, #tpu.memory_space<hbm>>, %arg5: memref<1024x81920xf32, #tpu.memory_space<hbm>>, %arg6: memref<20480xi32, #tpu.memory_space<vmem>>, %arg7: memref<20480xi32, #tpu.memory_space<vmem>>, %arg8: memref<4096xf32, #tpu.memory_space<vmem>>, %arg9: memref<20480xf32, #tpu.memory_space<vmem>>, %arg10: memref<20480xf32, #tpu.memory_space<vmem>>) attributes {dimension_semantics = [#tpu.dimension_semantics<core_parallel>, #tpu.dimension_semantics<subcore_parallel>], iteration_bounds = array<i64: 2, 16>, scalar_prefetch = 0 : i64, scratch_operands = 5 : i64, tpu.core_type = #tpu.core_type<sc_vector_subcore>, window_params = [{transform_indices = #map}, {transform_indices = #map}, {transform_indices = #map1}, {transform_indices = #map}]} {
    %mul3A = arith.constant 2 : i32
    %mul3A_0 = arith.muli %arg1, %mul3A : i32
    %add3A = arith.addi %mul3A_0, %arg0 : i32
    %jit3A = arith.constant 4 : i32
    %div3A = arith.divsi %add3A, %jit3A : i32
    %sign3A = arith.constant 0 : i32
    %sign3A_1 = arith.cmpi sgt, %add3A, %sign3A : i32
    %sign3A_2 = arith.extui %sign3A_1 : i1 to i32
    %sign3A_3 = arith.constant 0 : i32
    %sign3A_4 = arith.cmpi slt, %add3A, %sign3A_3 : i32
    %sign3A_5 = arith.extui %sign3A_4 : i1 to i32
    %sign3A_6 = arith.subi %sign3A_2, %sign3A_5 : i32
    %sign3A_7 = arith.constant 0 : i32
    %sign3A_8 = arith.cmpi sgt, %jit3A, %sign3A_7 : i32
    %sign3A_9 = arith.extui %sign3A_8 : i1 to i32
    %sign3A_10 = arith.constant 0 : i32
    %sign3A_11 = arith.cmpi slt, %jit3A, %sign3A_10 : i32
    %sign3A_12 = arith.extui %sign3A_11 : i1 to i32
    %sign3A_13 = arith.subi %sign3A_9, %sign3A_12 : i32
    %ne3A = arith.cmpi ne, %sign3A_6, %sign3A_13 : i32
    %rem3A = arith.remsi %add3A, %jit3A : i32
    %ne3A_14 = arith.constant 0 : i32
    %ne3A_15 = arith.cmpi ne, %rem3A, %ne3A_14 : i32
    %and3A = arith.andi %ne3A, %ne3A_15 : i1
    %sub3A = arith.constant 1 : i32
    %sub3A_16 = arith.subi %div3A, %sub3A : i32
    %select_n3A = arith.select %and3A, %sub3A_16, %div3A : i32
    %jit3A_17 = arith.constant 4 : i32
    %eq3A = arith.constant 0 : i32
    %eq3A_18 = arith.cmpi eq, %jit3A_17, %eq3A : i32
    %jit3A_19 = arith.constant 1 : i32
    %select_n3A_20 = arith.select %eq3A_18, %jit3A_19, %jit3A_17 : i32
    %rem3A_21 = arith.remsi %add3A, %select_n3A_20 : i32
    %ne3A_22 = arith.constant 0 : i32
    %ne3A_23 = arith.cmpi ne, %rem3A_21, %ne3A_22 : i32
    %lt3A = arith.constant 0 : i32
    %lt3A_24 = arith.cmpi slt, %rem3A_21, %lt3A : i32
    %lt3A_25 = arith.constant 0 : i32
    %lt3A_26 = arith.cmpi slt, %select_n3A_20, %lt3A_25 : i32
    %ne3A_27 = arith.xori %lt3A_24, %lt3A_26 : i1
    %and3A_28 = arith.andi %ne3A_27, %ne3A_23 : i1
    %add3A_29 = arith.addi %rem3A_21, %select_n3A_20 : i32
    %select_n3A_30 = arith.select %and3A_28, %add3A_29, %rem3A_21 : i32
    %mul3A_31 = arith.constant 20480 : i32
    %mul3A_32 = arith.muli %select_n3A_30, %mul3A_31 : i32
    "tpu.region"() ({
      %run_scoped3A = tpu.sem_alloc : memref<!tpu.dma_semaphore, #tpu.memory_space<semaphore_mem>>
      %dma_start3A = tpu.memref_slice %arg3[%select_n3A, %mul3A_32] : memref<8x81920xi32, #tpu.memory_space<hbm>> -> memref<1x20480xi32, #tpu.memory_space<hbm>>
      %dma_start3A_38 = tpu.memref_squeeze %dma_start3A : memref<1x20480xi32, #tpu.memory_space<hbm>> -> memref<20480xi32, #tpu.memory_space<hbm>>
      %dma_start3A_39 = tpu.memref_slice %arg3[%select_n3A, %mul3A_32] : memref<8x81920xi32, #tpu.memory_space<hbm>> -> memref<1x20480xi32, #tpu.memory_space<hbm>>
      %dma_start3A_40 = tpu.memref_squeeze %dma_start3A_39 : memref<1x20480xi32, #tpu.memory_space<hbm>> -> memref<20480xi32, #tpu.memory_space<hbm>>
      tpu.enqueue_dma source(%dma_start3A_40 : memref<20480xi32, #tpu.memory_space<hbm>>) target(%arg6 : memref<20480xi32, #tpu.memory_space<vmem>>) target_semaphore(%run_scoped3A : memref<!tpu.dma_semaphore, #tpu.memory_space<semaphore_mem>>)
      %dma_wait3A = tpu.memref_slice %arg3[%select_n3A, %mul3A_32] : memref<8x81920xi32, #tpu.memory_space<hbm>> -> memref<1x20480xi32, #tpu.memory_space<hbm>>
      %dma_wait3A_41 = tpu.memref_squeeze %dma_wait3A : memref<1x20480xi32, #tpu.memory_space<hbm>> -> memref<20480xi32, #tpu.memory_space<hbm>>
      %dma_wait3A_42 = tpu.memref_slice %arg3[%select_n3A, %mul3A_32] : memref<8x81920xi32, #tpu.memory_space<hbm>> -> memref<1x20480xi32, #tpu.memory_space<hbm>>
      %dma_wait3A_43 = tpu.memref_squeeze %dma_wait3A_42 : memref<1x20480xi32, #tpu.memory_space<hbm>> -> memref<20480xi32, #tpu.memory_space<hbm>>
      tpu.wait_dma2 semaphore(%run_scoped3A : memref<!tpu.dma_semaphore, #tpu.memory_space<semaphore_mem>>) src(%dma_wait3A_43 : memref<20480xi32, #tpu.memory_space<hbm>>) dst(%arg6 : memref<20480xi32, #tpu.memory_space<vmem>>)
      tpu.yield
    }) : () -> ()
    "tpu.region"() ({
      %run_scoped3A = tpu.sem_alloc : memref<!tpu.dma_semaphore, #tpu.memory_space<semaphore_mem>>
      %dma_start3A = tpu.memref_slice %arg4[%mul3A_32] : memref<81920xi32, #tpu.memory_space<hbm>> -> memref<20480xi32, #tpu.memory_space<hbm>>
      %dma_start3A_38 = tpu.memref_slice %arg4[%mul3A_32] : memref<81920xi32, #tpu.memory_space<hbm>> -> memref<20480xi32, #tpu.memory_space<hbm>>
      tpu.enqueue_dma source(%dma_start3A_38 : memref<20480xi32, #tpu.memory_space<hbm>>) target(%arg7 : memref<20480xi32, #tpu.memory_space<vmem>>) target_semaphore(%run_scoped3A : memref<!tpu.dma_semaphore, #tpu.memory_space<semaphore_mem>>)
      %dma_wait3A = tpu.memref_slice %arg4[%mul3A_32] : memref<81920xi32, #tpu.memory_space<hbm>> -> memref<20480xi32, #tpu.memory_space<hbm>>
      %dma_wait3A_39 = tpu.memref_slice %arg4[%mul3A_32] : memref<81920xi32, #tpu.memory_space<hbm>> -> memref<20480xi32, #tpu.memory_space<hbm>>
      tpu.wait_dma2 semaphore(%run_scoped3A : memref<!tpu.dma_semaphore, #tpu.memory_space<semaphore_mem>>) src(%dma_wait3A_39 : memref<20480xi32, #tpu.memory_space<hbm>>) dst(%arg7 : memref<20480xi32, #tpu.memory_space<vmem>>)
      tpu.yield
    }) : () -> ()
    %scan3A = arith.constant 0 : i32
    %scan3A_33 = arith.constant 0 : i32
    %scan3A_34 = arith.constant 64 : i32
    %scan3A_35 = arith.addi %scan3A_33, %scan3A_34 : i32
    %scan3A_36 = arith.constant 1 : i32
    scf.for %scan3A_38 = %scan3A_33 to %scan3A_35 step %scan3A_36  : i32 {
      %mul3A_39 = arith.constant 64 : i32
      %mul3A_40 = arith.muli %select_n3A, %mul3A_39 : i32
      %add3A_41 = arith.addi %mul3A_40, %scan3A_38 : i32
      "tpu.region"() ({
        %run_scoped3A = tpu.sem_alloc : memref<!tpu.dma_semaphore, #tpu.memory_space<semaphore_mem>>
        %dma_start3A = arith.constant 0 : i32
        %dma_start3A_60 = tpu.memref_slice %arg2[%add3A_41, %dma_start3A] : memref<512x4096xf32, #tpu.memory_space<hbm>> -> memref<1x4096xf32, #tpu.memory_space<hbm>>
        %dma_start3A_61 = tpu.memref_squeeze %dma_start3A_60 : memref<1x4096xf32, #tpu.memory_space<hbm>> -> memref<4096xf32, #tpu.memory_space<hbm>>
        %dma_start3A_62 = arith.constant 0 : i32
        %dma_start3A_63 = tpu.memref_slice %arg2[%add3A_41, %dma_start3A_62] : memref<512x4096xf32, #tpu.memory_space<hbm>> -> memref<1x4096xf32, #tpu.memory_space<hbm>>
        %dma_start3A_64 = tpu.memref_squeeze %dma_start3A_63 : memref<1x4096xf32, #tpu.memory_space<hbm>> -> memref<4096xf32, #tpu.memory_space<hbm>>
        tpu.enqueue_dma source(%dma_start3A_64 : memref<4096xf32, #tpu.memory_space<hbm>>) target(%arg8 : memref<4096xf32, #tpu.memory_space<vmem>>) target_semaphore(%run_scoped3A : memref<!tpu.dma_semaphore, #tpu.memory_space<semaphore_mem>>)
        %dma_wait3A = arith.constant 0 : i32
        %dma_wait3A_65 = tpu.memref_slice %arg2[%add3A_41, %dma_wait3A] : memref<512x4096xf32, #tpu.memory_space<hbm>> -> memref<1x4096xf32, #tpu.memory_space<hbm>>
        %dma_wait3A_66 = tpu.memref_squeeze %dma_wait3A_65 : memref<1x4096xf32, #tpu.memory_space<hbm>> -> memref<4096xf32, #tpu.memory_space<hbm>>
        %dma_wait3A_67 = arith.constant 0 : i32
        %dma_wait3A_68 = tpu.memref_slice %arg2[%add3A_41, %dma_wait3A_67] : memref<512x4096xf32, #tpu.memory_space<hbm>> -> memref<1x4096xf32, #tpu.memory_space<hbm>>
        %dma_wait3A_69 = tpu.memref_squeeze %dma_wait3A_68 : memref<1x4096xf32, #tpu.memory_space<hbm>> -> memref<4096xf32, #tpu.memory_space<hbm>>
        tpu.wait_dma2 semaphore(%run_scoped3A : memref<!tpu.dma_semaphore, #tpu.memory_space<semaphore_mem>>) src(%dma_wait3A_69 : memref<4096xf32, #tpu.memory_space<hbm>>) dst(%arg8 : memref<4096xf32, #tpu.memory_space<vmem>>)
        tpu.yield
      }) : () -> ()
      %scan3A_42 = arith.constant 0 : i32
      %scan3A_43 = arith.constant 0 : i32
      %scan3A_44 = arith.constant 160 : i32
      %scan3A_45 = arith.addi %scan3A_43, %scan3A_44 : i32
      %scan3A_46 = arith.constant 1 : i32
      scf.for %scan3A_60 = %scan3A_43 to %scan3A_45 step %scan3A_46  : i32 {
        %mul3A_61 = arith.constant 16 : i32
        %mul3A_62 = arith.muli %scan3A_60, %mul3A_61 : i32
        %mul3A_63 = arith.constant 8 : i32
        %mul3A_64 = arith.muli %mul3A_62, %mul3A_63 : i32
        %add3A_65 = arith.constant 0 : i32
        %add3A_66 = arith.addi %mul3A_64, %add3A_65 : i32
        %get3A = arith.index_cast %add3A_66 : i32 to index
        %get3A_67 = tpu.vector_load %arg6[%get3A] {strides = array<i32>} : memref<20480xi32, #tpu.memory_space<vmem>>, vector<16xi32>,
        %get3A_68 = arith.index_cast %add3A_66 : i32 to index
        %get3A_69 = tpu.vector_load %arg7[%get3A_68] {strides = array<i32>} : memref<20480xi32, #tpu.memory_space<vmem>>, vector<16xi32>,
        %gather3A = tpu.vector_load_idx %arg8[%get3A_67] : memref<4096xf32, #tpu.memory_space<vmem>>[vector<16xi32>], vector<16xf32>,
        %gather3A_70 = tpu.vector_load_idx %arg8[%get3A_69] : memref<4096xf32, #tpu.memory_space<vmem>>[vector<16xi32>], vector<16xf32>,
        %sub3A_71 = arith.subf %gather3A, %gather3A_70 : vector<16xf32>
        %swap3A = arith.index_cast %add3A_66 : i32 to index
        %swap3A_72 = tpu.vector_load %arg9[%swap3A] {strides = array<i32>} : memref<20480xf32, #tpu.memory_space<vmem>>, vector<16xf32>,
        tpu.vector_store %arg9[%swap3A], %sub3A_71 {strides = array<i32>} : memref<20480xf32, #tpu.memory_space<vmem>>, vector<16xf32>,
        %swap3A_73 = arith.index_cast %add3A_66 : i32 to index
        %swap3A_74 = tpu.vector_load %arg10[%swap3A_73] {strides = array<i32>} : memref<20480xf32, #tpu.memory_space<vmem>>, vector<16xf32>,
        tpu.vector_store %arg10[%swap3A_73], %gather3A_70 {strides = array<i32>} : memref<20480xf32, #tpu.memory_space<vmem>>, vector<16xf32>,
        %add3A_75 = arith.constant 16 : i32
        %add3A_76 = arith.addi %mul3A_64, %add3A_75 : i32
        %get3A_77 = arith.index_cast %add3A_76 : i32 to index
        %get3A_78 = tpu.vector_load %arg6[%get3A_77] {strides = array<i32>} : memref<20480xi32, #tpu.memory_space<vmem>>, vector<16xi32>,
        %get3A_79 = arith.index_cast %add3A_76 : i32 to index
        %get3A_80 = tpu.vector_load %arg7[%get3A_79] {strides = array<i32>} : memref<20480xi32, #tpu.memory_space<vmem>>, vector<16xi32>,
        %gather3A_81 = tpu.vector_load_idx %arg8[%get3A_78] : memref<4096xf32, #tpu.memory_space<vmem>>[vector<16xi32>], vector<16xf32>,
        %gather3A_82 = tpu.vector_load_idx %arg8[%get3A_80] : memref<4096xf32, #tpu.memory_space<vmem>>[vector<16xi32>], vector<16xf32>,
        %sub3A_83 = arith.subf %gather3A_81, %gather3A_82 : vector<16xf32>
        %swap3A_84 = arith.index_cast %add3A_76 : i32 to index
        %swap3A_85 = tpu.vector_load %arg9[%swap3A_84] {strides = array<i32>} : memref<20480xf32, #tpu.memory_space<vmem>>, vector<16xf32>,
        tpu.vector_store %arg9[%swap3A_84], %sub3A_83 {strides = array<i32>} : memref<20480xf32, #tpu.memory_space<vmem>>, vector<16xf32>,
        %swap3A_86 = arith.index_cast %add3A_76 : i32 to index
        %swap3A_87 = tpu.vector_load %arg10[%swap3A_86] {strides = array<i32>} : memref<20480xf32, #tpu.memory_space<vmem>>, vector<16xf32>,
        tpu.vector_store %arg10[%swap3A_86], %gather3A_82 {strides = array<i32>} : memref<20480xf32, #tpu.memory_space<vmem>>, vector<16xf32>,
        %add3A_88 = arith.constant 32 : i32
        %add3A_89 = arith.addi %mul3A_64, %add3A_88 : i32
        %get3A_90 = arith.index_cast %add3A_89 : i32 to index
        %get3A_91 = tpu.vector_load %arg6[%get3A_90] {strides = array<i32>} : memref<20480xi32, #tpu.memory_space<vmem>>, vector<16xi32>,
        %get3A_92 = arith.index_cast %add3A_89 : i32 to index
        %get3A_93 = tpu.vector_load %arg7[%get3A_92] {strides = array<i32>} : memref<20480xi32, #tpu.memory_space<vmem>>, vector<16xi32>,
        %gather3A_94 = tpu.vector_load_idx %arg8[%get3A_91] : memref<4096xf32, #tpu.memory_space<vmem>>[vector<16xi32>], vector<16xf32>,
        %gather3A_95 = tpu.vector_load_idx %arg8[%get3A_93] : memref<4096xf32, #tpu.memory_space<vmem>>[vector<16xi32>], vector<16xf32>,
        %sub3A_96 = arith.subf %gather3A_94, %gather3A_95 : vector<16xf32>
        %swap3A_97 = arith.index_cast %add3A_89 : i32 to index
        %swap3A_98 = tpu.vector_load %arg9[%swap3A_97] {strides = array<i32>} : memref<20480xf32, #tpu.memory_space<vmem>>, vector<16xf32>,
        tpu.vector_store %arg9[%swap3A_97], %sub3A_96 {strides = array<i32>} : memref<20480xf32, #tpu.memory_space<vmem>>, vector<16xf32>,
        %swap3A_99 = arith.index_cast %add3A_89 : i32 to index
        %swap3A_100 = tpu.vector_load %arg10[%swap3A_99] {strides = array<i32>} : memref<20480xf32, #tpu.memory_space<vmem>>, vector<16xf32>,
        tpu.vector_store %arg10[%swap3A_99], %gather3A_95 {strides = array<i32>} : memref<20480xf32, #tpu.memory_space<vmem>>, vector<16xf32>,
        %add3A_101 = arith.constant 48 : i32
        %add3A_102 = arith.addi %mul3A_64, %add3A_101 : i32
        %get3A_103 = arith.index_cast %add3A_102 : i32 to index
        %get3A_104 = tpu.vector_load %arg6[%get3A_103] {strides = array<i32>} : memref<20480xi32, #tpu.memory_space<vmem>>, vector<16xi32>,
        %get3A_105 = arith.index_cast %add3A_102 : i32 to index
        %get3A_106 = tpu.vector_load %arg7[%get3A_105] {strides = array<i32>} : memref<20480xi32, #tpu.memory_space<vmem>>, vector<16xi32>,
        %gather3A_107 = tpu.vector_load_idx %arg8[%get3A_104] : memref<4096xf32, #tpu.memory_space<vmem>>[vector<16xi32>], vector<16xf32>,
        %gather3A_108 = tpu.vector_load_idx %arg8[%get3A_106] : memref<4096xf32, #tpu.memory_space<vmem>>[vector<16xi32>], vector<16xf32>,
        %sub3A_109 = arith.subf %gather3A_107, %gather3A_108 : vector<16xf32>
        %swap3A_110 = arith.index_cast %add3A_102 : i32 to index
        %swap3A_111 = tpu.vector_load %arg9[%swap3A_110] {strides = array<i32>} : memref<20480xf32, #tpu.memory_space<vmem>>, vector<16xf32>,
        tpu.vector_store %arg9[%swap3A_110], %sub3A_109 {strides = array<i32>} : memref<20480xf32, #tpu.memory_space<vmem>>, vector<16xf32>,
        %swap3A_112 = arith.index_cast %add3A_102 : i32 to index
        %swap3A_113 = tpu.vector_load %arg10[%swap3A_112] {strides = array<i32>} : memref<20480xf32, #tpu.memory_space<vmem>>, vector<16xf32>,
        tpu.vector_store %arg10[%swap3A_112], %gather3A_108 {strides = array<i32>} : memref<20480xf32, #tpu.memory_space<vmem>>, vector<16xf32>,
        %add3A_114 = arith.constant 64 : i32
        %add3A_115 = arith.addi %mul3A_64, %add3A_114 : i32
        %get3A_116 = arith.index_cast %add3A_115 : i32 to index
        %get3A_117 = tpu.vector_load %arg6[%get3A_116] {strides = array<i32>} : memref<20480xi32, #tpu.memory_space<vmem>>, vector<16xi32>,
        %get3A_118 = arith.index_cast %add3A_115 : i32 to index
        %get3A_119 = tpu.vector_load %arg7[%get3A_118] {strides = array<i32>} : memref<20480xi32, #tpu.memory_space<vmem>>, vector<16xi32>,
        %gather3A_120 = tpu.vector_load_idx %arg8[%get3A_117] : memref<4096xf32, #tpu.memory_space<vmem>>[vector<16xi32>], vector<16xf32>,
        %gather3A_121 = tpu.vector_load_idx %arg8[%get3A_119] : memref<4096xf32, #tpu.memory_space<vmem>>[vector<16xi32>], vector<16xf32>,
        %sub3A_122 = arith.subf %gather3A_120, %gather3A_121 : vector<16xf32>
        %swap3A_123 = arith.index_cast %add3A_115 : i32 to index
        %swap3A_124 = tpu.vector_load %arg9[%swap3A_123] {strides = array<i32>} : memref<20480xf32, #tpu.memory_space<vmem>>, vector<16xf32>,
        tpu.vector_store %arg9[%swap3A_123], %sub3A_122 {strides = array<i32>} : memref<20480xf32, #tpu.memory_space<vmem>>, vector<16xf32>,
        %swap3A_125 = arith.index_cast %add3A_115 : i32 to index
        %swap3A_126 = tpu.vector_load %arg10[%swap3A_125] {strides = array<i32>} : memref<20480xf32, #tpu.memory_space<vmem>>, vector<16xf32>,
        tpu.vector_store %arg10[%swap3A_125], %gather3A_121 {strides = array<i32>} : memref<20480xf32, #tpu.memory_space<vmem>>, vector<16xf32>,
        %add3A_127 = arith.constant 80 : i32
        %add3A_128 = arith.addi %mul3A_64, %add3A_127 : i32
        %get3A_129 = arith.index_cast %add3A_128 : i32 to index
        %get3A_130 = tpu.vector_load %arg6[%get3A_129] {strides = array<i32>} : memref<20480xi32, #tpu.memory_space<vmem>>, vector<16xi32>,
        %get3A_131 = arith.index_cast %add3A_128 : i32 to index
        %get3A_132 = tpu.vector_load %arg7[%get3A_131] {strides = array<i32>} : memref<20480xi32, #tpu.memory_space<vmem>>, vector<16xi32>,
        %gather3A_133 = tpu.vector_load_idx %arg8[%get3A_130] : memref<4096xf32, #tpu.memory_space<vmem>>[vector<16xi32>], vector<16xf32>,
        %gather3A_134 = tpu.vector_load_idx %arg8[%get3A_132] : memref<4096xf32, #tpu.memory_space<vmem>>[vector<16xi32>], vector<16xf32>,
        %sub3A_135 = arith.subf %gather3A_133, %gather3A_134 : vector<16xf32>
        %swap3A_136 = arith.index_cast %add3A_128 : i32 to index
        %swap3A_137 = tpu.vector_load %arg9[%swap3A_136] {strides = array<i32>} : memref<20480xf32, #tpu.memory_space<vmem>>, vector<16xf32>,
        tpu.vector_store %arg9[%swap3A_136], %sub3A_135 {strides = array<i32>} : memref<20480xf32, #tpu.memory_space<vmem>>, vector<16xf32>,
        %swap3A_138 = arith.index_cast %add3A_128 : i32 to index
        %swap3A_139 = tpu.vector_load %arg10[%swap3A_138] {strides = array<i32>} : memref<20480xf32, #tpu.memory_space<vmem>>, vector<16xf32>,
        tpu.vector_store %arg10[%swap3A_138], %gather3A_134 {strides = array<i32>} : memref<20480xf32, #tpu.memory_space<vmem>>, vector<16xf32>,
        %add3A_140 = arith.constant 96 : i32
        %add3A_141 = arith.addi %mul3A_64, %add3A_140 : i32
        %get3A_142 = arith.index_cast %add3A_141 : i32 to index
        %get3A_143 = tpu.vector_load %arg6[%get3A_142] {strides = array<i32>} : memref<20480xi32, #tpu.memory_space<vmem>>, vector<16xi32>,
        %get3A_144 = arith.index_cast %add3A_141 : i32 to index
        %get3A_145 = tpu.vector_load %arg7[%get3A_144] {strides = array<i32>} : memref<20480xi32, #tpu.memory_space<vmem>>, vector<16xi32>,
        %gather3A_146 = tpu.vector_load_idx %arg8[%get3A_143] : memref<4096xf32, #tpu.memory_space<vmem>>[vector<16xi32>], vector<16xf32>,
        %gather3A_147 = tpu.vector_load_idx %arg8[%get3A_145] : memref<4096xf32, #tpu.memory_space<vmem>>[vector<16xi32>], vector<16xf32>,
        %sub3A_148 = arith.subf %gather3A_146, %gather3A_147 : vector<16xf32>
        %swap3A_149 = arith.index_cast %add3A_141 : i32 to index
        %swap3A_150 = tpu.vector_load %arg9[%swap3A_149] {strides = array<i32>} : memref<20480xf32, #tpu.memory_space<vmem>>, vector<16xf32>,
        tpu.vector_store %arg9[%swap3A_149], %sub3A_148 {strides = array<i32>} : memref<20480xf32, #tpu.memory_space<vmem>>, vector<16xf32>,
        %swap3A_151 = arith.index_cast %add3A_141 : i32 to index
        %swap3A_152 = tpu.vector_load %arg10[%swap3A_151] {strides = array<i32>} : memref<20480xf32, #tpu.memory_space<vmem>>, vector<16xf32>,
        tpu.vector_store %arg10[%swap3A_151], %gather3A_147 {strides = array<i32>} : memref<20480xf32, #tpu.memory_space<vmem>>, vector<16xf32>,
        %add3A_153 = arith.constant 112 : i32
        %add3A_154 = arith.addi %mul3A_64, %add3A_153 : i32
        %get3A_155 = arith.index_cast %add3A_154 : i32 to index
        %get3A_156 = tpu.vector_load %arg6[%get3A_155] {strides = array<i32>} : memref<20480xi32, #tpu.memory_space<vmem>>, vector<16xi32>,
        %get3A_157 = arith.index_cast %add3A_154 : i32 to index
        %get3A_158 = tpu.vector_load %arg7[%get3A_157] {strides = array<i32>} : memref<20480xi32, #tpu.memory_space<vmem>>, vector<16xi32>,
        %gather3A_159 = tpu.vector_load_idx %arg8[%get3A_156] : memref<4096xf32, #tpu.memory_space<vmem>>[vector<16xi32>], vector<16xf32>,
        %gather3A_160 = tpu.vector_load_idx %arg8[%get3A_158] : memref<4096xf32, #tpu.memory_space<vmem>>[vector<16xi32>], vector<16xf32>,
        %sub3A_161 = arith.subf %gather3A_159, %gather3A_160 : vector<16xf32>
        %swap3A_162 = arith.index_cast %add3A_154 : i32 to index
        %swap3A_163 = tpu.vector_load %arg9[%swap3A_162] {strides = array<i32>} : memref<20480xf32, #tpu.memory_space<vmem>>, vector<16xf32>,
        tpu.vector_store %arg9[%swap3A_162], %sub3A_161 {strides = array<i32>} : memref<20480xf32, #tpu.memory_space<vmem>>, vector<16xf32>,
        %swap3A_164 = arith.index_cast %add3A_154 : i32 to index
        %swap3A_165 = tpu.vector_load %arg10[%swap3A_164] {strides = array<i32>} : memref<20480xf32, #tpu.memory_space<vmem>>, vector<16xf32>,
        tpu.vector_store %arg10[%swap3A_164], %gather3A_160 {strides = array<i32>} : memref<20480xf32, #tpu.memory_space<vmem>>, vector<16xf32>,
      }
      %scan3A_47 = arith.constant 160 : i32
      %mul3A_48 = arith.constant 2 : i32
      %mul3A_49 = arith.muli %select_n3A, %mul3A_48 : i32
      %mul3A_50 = arith.constant 64 : i32
      %mul3A_51 = arith.muli %mul3A_49, %mul3A_50 : i32
      %add3A_52 = arith.addi %mul3A_51, %scan3A_38 : i32
      "tpu.region"() ({
        %run_scoped3A = tpu.sem_alloc : memref<!tpu.dma_semaphore, #tpu.memory_space<semaphore_mem>>
        %dma_start3A = tpu.memref_slice %arg5[%add3A_52, %mul3A_32] : memref<1024x81920xf32, #tpu.memory_space<hbm>> -> memref<1x20480xf32, #tpu.memory_space<hbm>>
        %dma_start3A_60 = tpu.memref_squeeze %dma_start3A : memref<1x20480xf32, #tpu.memory_space<hbm>> -> memref<20480xf32, #tpu.memory_space<hbm>>
        %dma_start3A_61 = tpu.memref_slice %arg5[%add3A_52, %mul3A_32] : memref<1024x81920xf32, #tpu.memory_space<hbm>> -> memref<1x20480xf32, #tpu.memory_space<hbm>>
        %dma_start3A_62 = tpu.memref_squeeze %dma_start3A_61 : memref<1x20480xf32, #tpu.memory_space<hbm>> -> memref<20480xf32, #tpu.memory_space<hbm>>
        tpu.enqueue_dma source(%arg9 : memref<20480xf32, #tpu.memory_space<vmem>>) target(%dma_start3A_62 : memref<20480xf32, #tpu.memory_space<hbm>>) target_semaphore(%run_scoped3A : memref<!tpu.dma_semaphore, #tpu.memory_space<semaphore_mem>>)
        %dma_wait3A = tpu.memref_slice %arg5[%add3A_52, %mul3A_32] : memref<1024x81920xf32, #tpu.memory_space<hbm>> -> memref<1x20480xf32, #tpu.memory_space<hbm>>
        %dma_wait3A_63 = tpu.memref_squeeze %dma_wait3A : memref<1x20480xf32, #tpu.memory_space<hbm>> -> memref<20480xf32, #tpu.memory_space<hbm>>
        %dma_wait3A_64 = tpu.memref_slice %arg5[%add3A_52, %mul3A_32] : memref<1024x81920xf32, #tpu.memory_space<hbm>> -> memref<1x20480xf32, #tpu.memory_space<hbm>>
        %dma_wait3A_65 = tpu.memref_squeeze %dma_wait3A_64 : memref<1x20480xf32, #tpu.memory_space<hbm>> -> memref<20480xf32, #tpu.memory_space<hbm>>
        tpu.wait_dma2 semaphore(%run_scoped3A : memref<!tpu.dma_semaphore, #tpu.memory_space<semaphore_mem>>) src(%arg9 : memref<20480xf32, #tpu.memory_space<vmem>>) dst(%dma_wait3A_65 : memref<20480xf32, #tpu.memory_space<hbm>>)
        tpu.yield
      }) : () -> ()
      %mul3A_53 = arith.constant 2 : i32
      %mul3A_54 = arith.muli %select_n3A, %mul3A_53 : i32
      %mul3A_55 = arith.constant 64 : i32
      %mul3A_56 = arith.muli %mul3A_54, %mul3A_55 : i32
      %add3A_57 = arith.constant 64 : i32
      %add3A_58 = arith.addi %mul3A_56, %add3A_57 : i32
      %add3A_59 = arith.addi %add3A_58, %scan3A_38 : i32
      "tpu.region"() ({
        %run_scoped3A = tpu.sem_alloc : memref<!tpu.dma_semaphore, #tpu.memory_space<semaphore_mem>>
        %dma_start3A = tpu.memref_slice %arg5[%add3A_59, %mul3A_32] : memref<1024x81920xf32, #tpu.memory_space<hbm>> -> memref<1x20480xf32, #tpu.memory_space<hbm>>
        %dma_start3A_60 = tpu.memref_squeeze %dma_start3A : memref<1x20480xf32, #tpu.memory_space<hbm>> -> memref<20480xf32, #tpu.memory_space<hbm>>
        %dma_start3A_61 = tpu.memref_slice %arg5[%add3A_59, %mul3A_32] : memref<1024x81920xf32, #tpu.memory_space<hbm>> -> memref<1x20480xf32, #tpu.memory_space<hbm>>
        %dma_start3A_62 = tpu.memref_squeeze %dma_start3A_61 : memref<1x20480xf32, #tpu.memory_space<hbm>> -> memref<20480xf32, #tpu.memory_space<hbm>>
        tpu.enqueue_dma source(%arg10 : memref<20480xf32, #tpu.memory_space<vmem>>) target(%dma_start3A_62 : memref<20480xf32, #tpu.memory_space<hbm>>) target_semaphore(%run_scoped3A : memref<!tpu.dma_semaphore, #tpu.memory_space<semaphore_mem>>)
        %dma_wait3A = tpu.memref_slice %arg5[%add3A_59, %mul3A_32] : memref<1024x81920xf32, #tpu.memory_space<hbm>> -> memref<1x20480xf32, #tpu.memory_space<hbm>>
        %dma_wait3A_63 = tpu.memref_squeeze %dma_wait3A : memref<1x20480xf32, #tpu.memory_space<hbm>> -> memref<20480xf32, #tpu.memory_space<hbm>>
        %dma_wait3A_64 = tpu.memref_slice %arg5[%add3A_59, %mul3A_32] : memref<1024x81920xf32, #tpu.memory_space<hbm>> -> memref<1x20480xf32, #tpu.memory_space<hbm>>
        %dma_wait3A_65 = tpu.memref_squeeze %dma_wait3A_64 : memref<1x20480xf32, #tpu.memory_space<hbm>> -> memref<20480xf32, #tpu.memory_space<hbm>>
        tpu.wait_dma2 semaphore(%run_scoped3A : memref<!tpu.dma_semaphore, #tpu.memory_space<semaphore_mem>>) src(%arg10 : memref<20480xf32, #tpu.memory_space<vmem>>) dst(%dma_wait3A_65 : memref<20480xf32, #tpu.memory_space<hbm>>)
        tpu.yield
      }) : () -> ()
    }
    %scan3A_37 = arith.constant 64 : i32
    return
  }
}

module attributes {stable_mosaic.version = 14 : i64} {
  func.func @_topk_body(%arg0: i32, %arg1: i32, %arg2: memref<1x64x4096xf32, #tpu.memory_space<vmem>>, %arg3: memref<1x64x512xf32, #tpu.memory_space<vmem>>, %arg4: memref<1x512x32xi32, #tpu.memory_space<vmem>>) attributes {dimension_semantics = [#tpu.dimension_semantics<arbitrary>, #tpu.dimension_semantics<arbitrary>], iteration_bounds = array<i64: 8, 8>, scalar_prefetch = 0 : i64, scratch_operands = 0 : i64, tpu.core_type = #tpu.core_type<tc>, window_params = [{transform_indices = @transform_0, window_bounds = array<i64: 1, 64, 4096>}, {transform_indices = @transform_1, window_bounds = array<i64: 1, 64, 512>}, {transform_indices = @transform_2, window_bounds = array<i64: 1, 512, 32>}]} {
    %get3A = arith.constant 0 : index
    %get3A_0 = arith.constant 0 : index
    %get3A_1 = arith.constant 0 : index
    %get3A_2 = vector.load %arg2[%get3A, %get3A_0, %get3A_1] : memref<1x64x4096xf32, #tpu.memory_space<vmem>>, vector<1x64x4096xf32>
    %get3A_3 = vector.shape_cast %get3A_2 : vector<1x64x4096xf32> to vector<64x4096xf32>
    %get3A_4 = arith.constant 0 : index
    %get3A_5 = arith.constant 0 : index
    %get3A_6 = arith.constant 0 : index
    %get3A_7 = vector.load %arg3[%get3A_4, %get3A_5, %get3A_6] : memref<1x64x512xf32, #tpu.memory_space<vmem>>, vector<1x64x512xf32>
    %get3A_8 = vector.shape_cast %get3A_7 : vector<1x64x512xf32> to vector<64x512xf32>
    %dot_general3A = arith.constant dense<0.000000e+00> : vector<512x4096xf32>
    %dot_general3A_9 = tpu.matmul %get3A_8, %get3A_3, %dot_general3A {dimension_numbers = #tpu.dot_dimension_numbers<[0], [0], [1], [1], [0, 1, 1, 1], [], []>, transpose_lhs_hint = false} : vector<64x512xf32>, vector<64x4096xf32>, vector<512x4096xf32> -> vector<512x4096xf32>
    %mul3A = arith.constant -2.000000e+00 : f32
    %mul3A_10 = vector.broadcast %mul3A : f32 to vector<512x4096xf32>
    %mul3A_11 = arith.mulf %mul3A_10, %dot_general3A_9 : vector<512x4096xf32>
    %mul3A_12 = arith.mulf %get3A_3, %get3A_3 : vector<64x4096xf32>
    %reduce_sum3A = arith.constant dense<0.000000e+00> : vector<4096xf32>
    %reduce_sum3A_13 = vector.multi_reduction <add>, %mul3A_12, %reduce_sum3A [0] : vector<64x4096xf32> to vector<4096xf32>
    %broadcast_in_dim3A = vector.shape_cast %reduce_sum3A_13 : vector<4096xf32> to vector<1x4096xf32>
    %mul3A_14 = arith.mulf %get3A_8, %get3A_8 : vector<64x512xf32>
    %reduce_sum3A_15 = arith.constant dense<0.000000e+00> : vector<512xf32>
    %reduce_sum3A_16 = vector.multi_reduction <add>, %mul3A_14, %reduce_sum3A_15 [0] : vector<64x512xf32> to vector<512xf32>
    %broadcast_in_dim3A_17 = vector.shape_cast %reduce_sum3A_16 : vector<512xf32> to vector<512x1xf32>
    %neg3A = arith.constant 0.000000e+00 : f32
    %neg3A_18 = vector.broadcast %neg3A : f32 to vector<1x4096xf32>
    %neg3A_19 = arith.subf %neg3A_18, %broadcast_in_dim3A : vector<1x4096xf32>
    %sub3A = vector.broadcast %neg3A_19 : vector<1x4096xf32> to vector<512x4096xf32>
    %sub3A_20 = arith.subf %sub3A, %mul3A_11 : vector<512x4096xf32>
    %sub3A_21 = vector.broadcast %broadcast_in_dim3A_17 : vector<512x1xf32> to vector<512x4096xf32>
    %sub3A_22 = arith.subf %sub3A_20, %sub3A_21 : vector<512x4096xf32>
    %reshape3A = vector.shape_cast %sub3A_22 : vector<512x4096xf32> to vector<512x32x128xf32>
    %iota3A = tpu.iota {dimensions = array<i32: 1>} : vector<512x32x128xi32>
    %reduce_max3A = arith.constant dense<0xFF800000> : vector<512x128xf32>
    %reduce_max3A_23 = vector.multi_reduction <maximumf>, %reshape3A, %reduce_max3A [1] : vector<512x32x128xf32> to vector<512x128xf32>
    %broadcast_in_dim3A_24 = vector.shape_cast %reduce_max3A_23 : vector<512x128xf32> to vector<512x1x128xf32>
    %eq3A = vector.broadcast %broadcast_in_dim3A_24 : vector<512x1x128xf32> to vector<512x32x128xf32>
    %eq3A_25 = arith.cmpf oeq, %reshape3A, %eq3A : vector<512x32x128xf32>
    %jit3A = arith.constant 32 : i32
    %broadcast_in_dim3A_26 = vector.broadcast %jit3A : i32 to vector<512x32x128xi32>
    %select_n3A = arith.select %eq3A_25, %iota3A, %broadcast_in_dim3A_26 : vector<512x32x128xi1>, vector<512x32x128xi32>
    %reduce_min3A = arith.constant dense<2147483647> : vector<512x128xi32>
    %reduce_min3A_27 = vector.multi_reduction <minsi>, %select_n3A, %reduce_min3A [1] : vector<512x32x128xi32> to vector<512x128xi32>
    %broadcast_in_dim3A_28 = vector.shape_cast %reduce_min3A_27 : vector<512x128xi32> to vector<512x1x128xi32>
    %eq3A_29 = vector.broadcast %broadcast_in_dim3A_28 : vector<512x1x128xi32> to vector<512x32x128xi32>
    %eq3A_30 = arith.cmpi eq, %iota3A, %eq3A_29 : vector<512x32x128xi32>
    %jit3A_31 = arith.constant 0xFF800000 : f32
    %broadcast_in_dim3A_32 = vector.broadcast %jit3A_31 : f32 to vector<512x32x128xf32>
    %select_n3A_33 = arith.select %eq3A_30, %broadcast_in_dim3A_32, %reshape3A : vector<512x32x128xi1>, vector<512x32x128xf32>
    %reduce_max3A_34 = arith.constant dense<0xFF800000> : vector<512x128xf32>
    %reduce_max3A_35 = vector.multi_reduction <maximumf>, %select_n3A_33, %reduce_max3A_34 [1] : vector<512x32x128xf32> to vector<512x128xf32>
    %broadcast_in_dim3A_36 = vector.shape_cast %reduce_max3A_35 : vector<512x128xf32> to vector<512x1x128xf32>
    %eq3A_37 = vector.broadcast %broadcast_in_dim3A_36 : vector<512x1x128xf32> to vector<512x32x128xf32>
    %eq3A_38 = arith.cmpf oeq, %select_n3A_33, %eq3A_37 : vector<512x32x128xf32>
    %jit3A_39 = arith.constant 32 : i32
    %broadcast_in_dim3A_40 = vector.broadcast %jit3A_39 : i32 to vector<512x32x128xi32>
    %select_n3A_41 = arith.select %eq3A_38, %iota3A, %broadcast_in_dim3A_40 : vector<512x32x128xi1>, vector<512x32x128xi32>
    %reduce_min3A_42 = arith.constant dense<2147483647> : vector<512x128xi32>
    %reduce_min3A_43 = vector.multi_reduction <minsi>, %select_n3A_41, %reduce_min3A_42 [1] : vector<512x32x128xi32> to vector<512x128xi32>
    %broadcast_in_dim3A_44 = vector.shape_cast %reduce_min3A_43 : vector<512x128xi32> to vector<512x1x128xi32>
    %eq3A_45 = vector.broadcast %broadcast_in_dim3A_44 : vector<512x1x128xi32> to vector<512x32x128xi32>
    %eq3A_46 = arith.cmpi eq, %iota3A, %eq3A_45 : vector<512x32x128xi32>
    %jit3A_47 = arith.constant 0xFF800000 : f32
    %broadcast_in_dim3A_48 = vector.broadcast %jit3A_47 : f32 to vector<512x32x128xf32>
    %select_n3A_49 = arith.select %eq3A_46, %broadcast_in_dim3A_48, %select_n3A_33 : vector<512x32x128xi1>, vector<512x32x128xf32>
    %reduce_max3A_50 = arith.constant dense<0xFF800000> : vector<512x128xf32>
    %reduce_max3A_51 = vector.multi_reduction <maximumf>, %select_n3A_49, %reduce_max3A_50 [1] : vector<512x32x128xf32> to vector<512x128xf32>
    %broadcast_in_dim3A_52 = vector.shape_cast %reduce_max3A_51 : vector<512x128xf32> to vector<512x1x128xf32>
    %eq3A_53 = vector.broadcast %broadcast_in_dim3A_52 : vector<512x1x128xf32> to vector<512x32x128xf32>
    %eq3A_54 = arith.cmpf oeq, %select_n3A_49, %eq3A_53 : vector<512x32x128xf32>
    %jit3A_55 = arith.constant 32 : i32
    %broadcast_in_dim3A_56 = vector.broadcast %jit3A_55 : i32 to vector<512x32x128xi32>
    %select_n3A_57 = arith.select %eq3A_54, %iota3A, %broadcast_in_dim3A_56 : vector<512x32x128xi1>, vector<512x32x128xi32>
    %reduce_min3A_58 = arith.constant dense<2147483647> : vector<512x128xi32>
    %reduce_min3A_59 = vector.multi_reduction <minsi>, %select_n3A_57, %reduce_min3A_58 [1] : vector<512x32x128xi32> to vector<512x128xi32>
    %broadcast_in_dim3A_60 = vector.shape_cast %reduce_min3A_59 : vector<512x128xi32> to vector<512x1x128xi32>
    %eq3A_61 = vector.broadcast %broadcast_in_dim3A_60 : vector<512x1x128xi32> to vector<512x32x128xi32>
    %eq3A_62 = arith.cmpi eq, %iota3A, %eq3A_61 : vector<512x32x128xi32>
    %jit3A_63 = arith.constant 0xFF800000 : f32
    %broadcast_in_dim3A_64 = vector.broadcast %jit3A_63 : f32 to vector<512x32x128xf32>
    %select_n3A_65 = arith.select %eq3A_62, %broadcast_in_dim3A_64, %select_n3A_49 : vector<512x32x128xi1>, vector<512x32x128xf32>
    %reduce_max3A_66 = arith.constant dense<0xFF800000> : vector<512x128xf32>
    %reduce_max3A_67 = vector.multi_reduction <maximumf>, %select_n3A_65, %reduce_max3A_66 [1] : vector<512x32x128xf32> to vector<512x128xf32>
    %broadcast_in_dim3A_68 = vector.shape_cast %reduce_max3A_67 : vector<512x128xf32> to vector<512x1x128xf32>
    %eq3A_69 = vector.broadcast %broadcast_in_dim3A_68 : vector<512x1x128xf32> to vector<512x32x128xf32>
    %eq3A_70 = arith.cmpf oeq, %select_n3A_65, %eq3A_69 : vector<512x32x128xf32>
    %jit3A_71 = arith.constant 32 : i32
    %broadcast_in_dim3A_72 = vector.broadcast %jit3A_71 : i32 to vector<512x32x128xi32>
    %select_n3A_73 = arith.select %eq3A_70, %iota3A, %broadcast_in_dim3A_72 : vector<512x32x128xi1>, vector<512x32x128xi32>
    %reduce_min3A_74 = arith.constant dense<2147483647> : vector<512x128xi32>
    %reduce_min3A_75 = vector.multi_reduction <minsi>, %select_n3A_73, %reduce_min3A_74 [1] : vector<512x32x128xi32> to vector<512x128xi32>
    %broadcast_in_dim3A_76 = vector.shape_cast %reduce_min3A_75 : vector<512x128xi32> to vector<512x1x128xi32>
    %eq3A_77 = vector.broadcast %broadcast_in_dim3A_76 : vector<512x1x128xi32> to vector<512x32x128xi32>
    %eq3A_78 = arith.cmpi eq, %iota3A, %eq3A_77 : vector<512x32x128xi32>
    %jit3A_79 = arith.constant 0xFF800000 : f32
    %broadcast_in_dim3A_80 = vector.broadcast %jit3A_79 : f32 to vector<512x32x128xf32>
    %select_n3A_81 = arith.select %eq3A_78, %broadcast_in_dim3A_80, %select_n3A_65 : vector<512x32x128xi1>, vector<512x32x128xf32>
    %reduce_max3A_82 = arith.constant dense<0xFF800000> : vector<512x128xf32>
    %reduce_max3A_83 = vector.multi_reduction <maximumf>, %select_n3A_81, %reduce_max3A_82 [1] : vector<512x32x128xf32> to vector<512x128xf32>
    %broadcast_in_dim3A_84 = vector.shape_cast %reduce_max3A_83 : vector<512x128xf32> to vector<512x1x128xf32>
    %eq3A_85 = vector.broadcast %broadcast_in_dim3A_84 : vector<512x1x128xf32> to vector<512x32x128xf32>
    %eq3A_86 = arith.cmpf oeq, %select_n3A_81, %eq3A_85 : vector<512x32x128xf32>
    %jit3A_87 = arith.constant 32 : i32
    %broadcast_in_dim3A_88 = vector.broadcast %jit3A_87 : i32 to vector<512x32x128xi32>
    %select_n3A_89 = arith.select %eq3A_86, %iota3A, %broadcast_in_dim3A_88 : vector<512x32x128xi1>, vector<512x32x128xi32>
    %reduce_min3A_90 = arith.constant dense<2147483647> : vector<512x128xi32>
    %reduce_min3A_91 = vector.multi_reduction <minsi>, %select_n3A_89, %reduce_min3A_90 [1] : vector<512x32x128xi32> to vector<512x128xi32>
    %iota3A_92 = tpu.iota {dimensions = array<i32: 1>} : vector<512x128xi32>
    %concatenate3A = tpu.concatenate %reduce_max3A_23, %reduce_max3A_35, %reduce_max3A_51, %reduce_max3A_67, %reduce_max3A_83 in 1 : vector<512x128xf32>, vector<512x128xf32>, vector<512x128xf32>, vector<512x128xf32>, vector<512x128xf32> -> vector<512x640xf32>
    %mul3A_93 = arith.constant 128 : i32
    %mul3A_94 = vector.broadcast %mul3A_93 : i32 to vector<512x128xi32>
    %mul3A_95 = arith.muli %reduce_min3A_27, %mul3A_94 : vector<512x128xi32>
    %add3A = arith.addi %mul3A_95, %iota3A_92 : vector<512x128xi32>
    %mul3A_96 = arith.constant 128 : i32
    %mul3A_97 = vector.broadcast %mul3A_96 : i32 to vector<512x128xi32>
    %mul3A_98 = arith.muli %reduce_min3A_43, %mul3A_97 : vector<512x128xi32>
    %add3A_99 = arith.addi %mul3A_98, %iota3A_92 : vector<512x128xi32>
    %mul3A_100 = arith.constant 128 : i32
    %mul3A_101 = vector.broadcast %mul3A_100 : i32 to vector<512x128xi32>
    %mul3A_102 = arith.muli %reduce_min3A_59, %mul3A_101 : vector<512x128xi32>
    %add3A_103 = arith.addi %mul3A_102, %iota3A_92 : vector<512x128xi32>
    %mul3A_104 = arith.constant 128 : i32
    %mul3A_105 = vector.broadcast %mul3A_104 : i32 to vector<512x128xi32>
    %mul3A_106 = arith.muli %reduce_min3A_75, %mul3A_105 : vector<512x128xi32>
    %add3A_107 = arith.addi %mul3A_106, %iota3A_92 : vector<512x128xi32>
    %mul3A_108 = arith.constant 128 : i32
    %mul3A_109 = vector.broadcast %mul3A_108 : i32 to vector<512x128xi32>
    %mul3A_110 = arith.muli %reduce_min3A_91, %mul3A_109 : vector<512x128xi32>
    %add3A_111 = arith.addi %mul3A_110, %iota3A_92 : vector<512x128xi32>
    %concatenate3A_112 = tpu.concatenate %add3A, %add3A_99, %add3A_103, %add3A_107, %add3A_111 in 1 : vector<512x128xi32>, vector<512x128xi32>, vector<512x128xi32>, vector<512x128xi32>, vector<512x128xi32> -> vector<512x640xi32>
    %iota3A_113 = tpu.iota {dimensions = array<i32: 1>} : vector<512x32xi32>
    %broadcast_in_dim3A_114 = arith.constant 0 : i32
    %broadcast_in_dim3A_115 = vector.broadcast %broadcast_in_dim3A_114 : i32 to vector<512x32xi32>
    %scan3A = arith.constant 0xFF800000 : f32
    %scan3A_116 = arith.constant 0 : i32
    %scan3A_117 = arith.constant 20 : i32
    %scan3A_118 = arith.addi %scan3A_116, %scan3A_117 : i32
    %scan3A_119 = arith.constant 1 : i32
    %scan3A_120:2 = scf.for %scan3A_127 = %scan3A_116 to %scan3A_118 step %scan3A_119 iter_args(%scan3A_128 = %concatenate3A, %scan3A_129 = %broadcast_in_dim3A_115) -> (vector<512x640xf32>, vector<512x32xi32>)  : i32 {
      %reduce_max3A_130 = arith.constant dense<0xFF800000> : vector<512xf32>
      %reduce_max3A_131 = vector.multi_reduction <maximumf>, %scan3A_128, %reduce_max3A_130 [1] : vector<512x640xf32> to vector<512xf32>
      %broadcast_in_dim3A_132 = vector.shape_cast %reduce_max3A_131 : vector<512xf32> to vector<512x1xf32>
      %eq3A_133 = vector.broadcast %broadcast_in_dim3A_132 : vector<512x1xf32> to vector<512x640xf32>
      %eq3A_134 = arith.cmpf oeq, %scan3A_128, %eq3A_133 : vector<512x640xf32>
      %jit3A_135 = arith.constant 4096 : i32
      %broadcast_in_dim3A_136 = vector.broadcast %jit3A_135 : i32 to vector<512x640xi32>
      %select_n3A_137 = arith.select %eq3A_134, %concatenate3A_112, %broadcast_in_dim3A_136 : vector<512x640xi1>, vector<512x640xi32>
      %reduce_min3A_138 = arith.constant dense<2147483647> : vector<512xi32>
      %reduce_min3A_139 = vector.multi_reduction <minsi>, %select_n3A_137, %reduce_min3A_138 [1] : vector<512x640xi32> to vector<512xi32>
      %broadcast_in_dim3A_140 = vector.shape_cast %reduce_min3A_139 : vector<512xi32> to vector<512x1xi32>
      %eq3A_141 = vector.broadcast %scan3A_127 : i32 to vector<512x32xi32>
      %eq3A_142 = arith.cmpi eq, %iota3A_113, %eq3A_141 : vector<512x32xi32>
      %broadcast_in_dim3A_143 = vector.shape_cast %broadcast_in_dim3A_140 : vector<512x1xi32> to vector<512x1xi32>
      %broadcast_in_dim3A_144 = vector.broadcast %broadcast_in_dim3A_143 : vector<512x1xi32> to vector<512x32xi32>
      %select_n3A_145 = arith.select %eq3A_142, %broadcast_in_dim3A_144, %scan3A_129 : vector<512x32xi1>, vector<512x32xi32>
      %eq3A_146 = vector.broadcast %broadcast_in_dim3A_140 : vector<512x1xi32> to vector<512x640xi32>
      %eq3A_147 = arith.cmpi eq, %concatenate3A_112, %eq3A_146 : vector<512x640xi32>
      %and3A = arith.andi %eq3A_134, %eq3A_147 : vector<512x640xi1>
      %broadcast_in_dim3A_148 = vector.broadcast %scan3A : f32 to vector<512x640xf32>
      %select_n3A_149 = arith.select %and3A, %broadcast_in_dim3A_148, %scan3A_128 : vector<512x640xi1>, vector<512x640xf32>
      scf.yield %select_n3A_149, %select_n3A_145 : vector<512x640xf32>, vector<512x32xi32>
    }
    %scan3A_121 = arith.constant 20 : i32
    %swap3A = arith.constant 0 : index
    %swap3A_122 = arith.constant 0 : index
    %swap3A_123 = arith.constant 0 : index
    %swap3A_124 = vector.load %arg4[%swap3A, %swap3A_122, %swap3A_123] : memref<1x512x32xi32, #tpu.memory_space<vmem>>, vector<1x512x32xi32>
    %swap3A_125 = vector.shape_cast %swap3A_124 : vector<1x512x32xi32> to vector<512x32xi32>
    %swap3A_126 = vector.shape_cast %scan3A_120#1 : vector<512x32xi32> to vector<1x512x32xi32>
    tpu.vector_store %arg4[%swap3A, %swap3A_122, %swap3A_123], %swap3A_126 {strides = array<i32>} : memref<1x512x32xi32, #tpu.memory_space<vmem>>, vector<1x512x32xi32>,
    return
  }
  func.func @transform_0(%arg0: i32, %arg1: i32) -> (i32, i32, i32) {
    %c0_i32 = arith.constant 0 : i32
    %c0_i32_0 = arith.constant 0 : i32
    %c0_i32_1 = arith.constant 0 : i32
    return %arg0, %c0_i32, %c0_i32_0 : i32, i32, i32
  }
  func.func @transform_1(%arg0: i32, %arg1: i32) -> (i32, i32, i32) {
    %c0_i32 = arith.constant 0 : i32
    %c0_i32_0 = arith.constant 0 : i32
    return %arg0, %c0_i32, %arg1 : i32, i32, i32
  }
  func.func @transform_2(%arg0: i32, %arg1: i32) -> (i32, i32, i32) {
    %c0_i32 = arith.constant 0 : i32
    %c0_i32_0 = arith.constant 0 : i32
    return %arg0, %arg1, %c0_i32 : i32, i32, i32
  }
}

</mosaic_0001>

<sc_bundles>
// kernel: kernel.4.cloned.1.call-start
scs
__scs_entry_jumppad:
0x0: {  	(pc) =	sbr.rel $0x88, $3  }
0x1: {  	(tag) =	ssettag $0x0;
	lr =	simm.s32 $0x1  }
0x2: {  	[smem:$0x3F9F] =	sst lr;
	_ =	strace $0xD0000000  }
0x3: {  	_ = 	snop  }
0x4: {  	_ = 	snop  }
0x5: {  	_ = 	snop  }
0x6: {  	_ = 	snop  }
0x7: {  	_ = 	snop  }
__scs_overlays_trampoline_lowered:
0x8: {  	[smem:$0x3FAE] =	sst s0  }
0x9: {  	[smem:$0x3FAF] =	sst s1  }
0xa: {  	[smem:$0x3FB0] =	sst s2  }
0xb: {  	[smem:$0x3FB1] =	sst s3  }
0xc: {  	[smem:$0x3FB2] =	sst s4  }
0xd: {  	[smem:$0x3FB3] =	sst s5  }
0xe: {  	[smem:$0x3FB4] =	sst s6  }
0xf: {  	[smem:$0x3FB5] =	sst s7  }
0x10: {  	[smem:$0x3FB6] =	sst s8  }
0x11: {  	[smem:$0x3FB7] =	sst s9;
	s0 =	simm.s32 @!p0 $0x0  }
0x12: {  	s1 =	sld [smem:$0x3F9D];
	s0 =	simm.s32 @p0 $0x1  }
0x13: {  	[smem:$0x3FB8] =	sst s0;
	s0 =	simm.s32 @!p1 $0x0  }
0x14: {  	s2 =	sld [smem:$0x3F9C];
	s0 =	simm.s32 @p1 $0x1  }
0x15: {  	[smem:$0x3FB9] =	sst s0;
	s0 =	simm.s32 @!p2 $0x0  }
0x16: {  	s3 =	sld [smem:$0x3FDB];
	s0 =	simm.s32 @p2 $0x1  }
0x17: {  	s4 =	simm.s32 $0x1BF5;
	[smem:$0x3FBB] =	sst s0  }
0x18: {  	s0 =	sld [smem:$0x3F9E];
	_ =	swait.ge [sflag:s4], $0x0  }
0x19: {  	s7 =	sld [smem:$0x3F9F]  }
0x1a: {  	s8 =	sadd.s32 $0xFFFFE003, lr  }
0x1b: {  	s9 =	sadd.s32 $0xFFFFFEF7, lr;
	s5 =	simm.s32 $0xFFFFFFFF;
	p2 =	slt.u32 s8, $0xFFFFF086  }
0x1c: {  	p1 =	slt.u32 s9, $0xF7A;
	s5 =	simm.s32 @!p2 $0x0  }
0x1d: {  	s5 =	simm.s32 @p1 $0x1;
	p0 =	seq.s32 s7, s2  }
0x1e: {  	s7 =	smul.u32 @!p0 $0xF7A, s2;
	p2 =	seq.s32 @!p0 s5, $0x0  }
0x1f: {  	s9 =	smul.u32 $0xF7A, s1;
	s8 =	simm.s32 @!p0 $0x1BF5;
	p2 =	por !p2, p0  }
0x20: {  	[sflag:s8] =	ssyncset.s32 @!p0 $0xFFFFF086;
	s6 =	sadd.s32 @!p0 s3, s7;
	s7 =	simm.s32 @!p0 $0x108  }
0x21: {  	s3 =	sadd.s32 s3, s9;
	s6 =	sadd.s32 @!p0 $0x88, s6;
	s7 =	simm.s32 @p2 $0x1082  }
0x22: {  	[simem:s7], [sflag:s8] =	dma.local @!p0 [hbm:s6], $0xF7A  }
0x23: {  	s9 =	sor.u32 $0xD0000000, s2;
	s6 =	simm.s32 $0x108;
	_ =	swait.ge @!p0 [sflag:s8], $0x0  }
0x24: {  	s3 =	sadd.s32 $0x88, s3;
	s6 =	simm.s32 @!p1 $0x1082;
	[sflag:s4] =	ssyncset.s32 $0xFFFFF086  }
0x25: {  	[simem:s6], [sflag:s4] =	dma.local [hbm:s3], $0xF7A  }
0x26: {  	[smem:$0x3F9F] =	sst s1;
	(tag) =	ssettag s2;
	_ =	strace s9  }
0x27: {  	s1 =	sld [smem:$0x3FAF]  }
0x28: {  	s2 =	sld [smem:$0x3FB0]  }
0x29: {  	s4 =	sld [smem:$0x3FB2]  }
0x2a: {  	p0 =	seq.s32 s5, $0x0;
	s5 =	sld [smem:$0x3FB3]  }
0x2b: {  	s6 =	sld [smem:$0x3FB4]  }
0x2c: {  	s7 =	sld [smem:$0x3FB5]  }
0x2d: {  	s3 =	simm.s32 $0x108;
	s8 =	sld [smem:$0x3FB6]  }
0x2e: {  	s3 =	simm.s32 @!p0 $0x1082;
	s9 =	sld [smem:$0x3FB7]  }
0x2f: {  	lr =	sadd.s32 s0, s3;
	s0 =	sld [smem:$0x3FAE]  }
0x30: {  	s3 =	sld [smem:$0x3FB1]  }
0x31: {  	[smem:$0x3FBA] =	sst s10  }
0x32: {  	s10 =	sld [smem:$0x3FB8];
	_ =	sdelay $0x3  }
0x33: {  	p0 =	seq.s32 s10, $0x1;
	s10 =	sld [smem:$0x3FBA];
	_ =	sdelay $0x3  }
0x34: {  	[smem:$0x3FBA] =	sst s10  }
0x35: {  	s10 =	sld [smem:$0x3FB9];
	_ =	sdelay $0x3  }
0x36: {  	p1 =	seq.s32 s10, $0x1;
	s10 =	sld [smem:$0x3FBA];
	_ =	sdelay $0x3  }
0x37: {  	[smem:$0x3FBA] =	sst s10  }
0x38: {  	s10 =	sld [smem:$0x3FBB]  }
0x39: {  	_ = 	snop;
	(pc) =	sbr.ind lr, $3  }
0x3a: {  	_ = 	snop  }
0x3b: {  	_ = 	snop  }
0x3c: {  	p2 =	seq.s32 s10, $0x1;
	s10 =	sld [smem:$0x3FBA]  }
0x3d: {  	_ =	shalt  }
0x3e: {  	_ =	shalt  }
0x3f: {  	_ =	shalt  }
0x40: {  	_ =	shalt  }
0x41: {  	_ =	shalt  }
0x42: {  	_ =	shalt  }
0x43: {  	_ =	shalt  }
0x44: {  	_ =	shalt  }
0x45: {  	_ =	shalt  }
0x46: {  	_ =	shalt  }
0x47: {  	_ =	shalt  }
0x48: {  	_ =	shalt  }
0x49: {  	_ =	shalt  }
0x4a: {  	_ =	shalt  }
0x4b: {  	_ =	shalt  }
0x4c: {  	_ =	shalt  }
0x4d: {  	_ =	shalt  }
0x4e: {  	_ =	shalt  }
0x4f: {  	_ =	shalt  }
0x50: {  	_ =	shalt  }
0x51: {  	_ =	shalt  }
0x52: {  	_ =	shalt  }
0x53: {  	_ =	shalt  }
0x54: {  	_ =	shalt  }
0x55: {  	_ =	shalt  }
0x56: {  	_ =	shalt  }
0x57: {  	_ =	shalt  }
0x58: {  	_ =	shalt  }
0x59: {  	_ =	shalt  }
0x5a: {  	_ =	shalt  }
0x5b: {  	_ =	shalt  }
0x5c: {  	_ =	shalt  }
0x5d: {  	_ =	shalt  }
0x5e: {  	_ =	shalt  }
0x5f: {  	_ =	shalt  }
0x60: {  	_ =	shalt  }
0x61: {  	_ =	shalt  }
0x62: {  	_ =	shalt  }
0x63: {  	_ =	shalt  }
0x64: {  	_ =	shalt  }
0x65: {  	_ =	shalt  }
0x66: {  	_ =	shalt  }
0x67: {  	_ =	shalt  }
0x68: {  	_ =	shalt  }
0x69: {  	_ =	shalt  }
0x6a: {  	_ =	shalt  }
0x6b: {  	_ =	shalt  }
0x6c: {  	_ =	shalt  }
0x6d: {  	_ =	shalt  }
0x6e: {  	_ =	shalt  }
0x6f: {  	_ =	shalt  }
0x70: {  	_ =	shalt  }
0x71: {  	_ =	shalt  }
0x72: {  	_ =	shalt  }
0x73: {  	_ =	shalt  }
0x74: {  	_ =	shalt  }
0x75: {  	_ =	shalt  }
0x76: {  	_ =	shalt  }
0x77: {  	_ =	shalt  }
0x78: {  	_ =	shalt  }
0x79: {  	_ =	shalt  }
0x7a: {  	_ =	shalt  }
0x7b: {  	_ =	shalt  }
0x7c: {  	_ =	shalt  }
0x7d: {  	_ =	shalt  }
0x7e: {  	_ =	shalt  }
0x7f: {  	_ =	shalt  }
0x80: {  	_ =	shalt  }
0x81: {  	_ =	shalt  }
0x82: {  	_ =	shalt  }
0x83: {  	_ =	shalt  }
0x84: {  	_ =	shalt  }
0x85: {  	_ =	shalt  }
0x86: {  	_ =	shalt  }
0x87: {  	_ =	shalt  }
.Lfunc_end0:
.L_simem_size_0:
called_computation.1_lowered:
.L_overlay_start_0:
0x88: {  	s2 =	sld [smem:$0x3FD9]  }
0x89: {  	s3 =	sld [smem:$0x3FFE];
	_ =	sdelay $0x1  }
0x8a: {  	s1 =	srdreg.scid  }
0x8b: {  	s0 =	sand.u32 $0x1, s1  }
0x8c: {  	s17 =	sshll.u32 s0, $0xA;
	s2 =	sadd.s32 s3, s2  }
0x8d: {  	s2 =	sadd.s32 s2, s17  }
0x8e: {  	[smem:$0x3FC6] =	sst s2  }
0x8f: {  	_ = 	snop  }
0x90: {  	s2 =	sld [smem:$0x3FC9]  }
0x91: {  	s18 =	sld [smem:$0x3FD0];
	(tm) =	ssettm $0x1  }
0x92: {  	s4 =	sld [smem:$0x3FFB];
	_ =	sdelay $0x3  }
0x93: {  	_ =	strace s4  }
0x94: {  	s4 =	sld [smem:$0x3FFC];
	_ =	sdelay $0x3  }
0x95: {  	_ =	strace s4  }
0x96: {  	s4 =	sld [smem:$0x3FFD];
	_ =	sdelay $0x3  }
0x97: {  	_ =	strace s4  }
0x98: {  	_ =	strace $0x8FFFFFFF  }
0x99: {  	s19 =	sld [smem:$0x3FDB];
	_ =	sdelay $0x1  }
0x9a: {  	s5 =	simm.s32 $_scs_section_size  }
0x9b: {  	s6 =	simm.s32 $_size__tile_overlayer_lowered;
	s7 =	simm.s32 $_tile_overlayer_lowered  }
0x9c: {  	s22 =	simm.s32 $0x1BFF;
	s21 =	sshll.u32 s7, $0x1;
	s4 =	sadd.s32 s5, s19  }
0x9d: {  	s8 =	simm.s32 $0x0;
	s20 =	sshll.u32 s6, $0x1;
	s6 =	sadd.s32 s21, s4  }
0x9e: {  	[timem:s8], [sflag:s22] =	dma.local [hbm:s6], s20  }
0x9f: {  	_ =	swait.ge [sflag:s22], s20  }
0xa0: {  	s5 =	ssub.s32 $0x0, s20;
	[sflag:s22] =	ssyncset.done $0x0  }
0xa1: {  	[sflag:s22] =	ssyncadd.s32 s5;
	_ =	sdelay $0x1  }
0xa2: {  	s23 =	simm.s32 $0x1B8B  }
0xa3: {  	_ =	swait.ge [sflag:s23], $0x1  }
0xa4: {  	[sflag:s23] =	ssyncset.done $0x0  }
0xa5: {  	s25 =	simm.s32 $0x1B8E;
	s24 =	sld [smem:$0x3FFE];
	[sflag:s23] =	ssyncadd.s32 $0xFFFFFFFF  }
0xa6: {  	s26 =	simm.s32 $execute0_lowered;
	[smem:$0x3FD2] =	sst s25  }
0xa7: {  	s6 =	sshll.u32 s26, $0x1;
	_ =	strace $0x80000046;
	[dreg:$0x1] =	wrdreg $0xFFFFFFFF  }
0xa8: {  	s28 =	simm.s32 $_size_execute0_lowered;
	s4 =	sadd.s32 s4, s6;
	[dreg:$0x0] =	wrdreg $0x0  }
0xa9: {  	s6 =	sshll.u32 s28, $0x1;
	[dreg:$0x2] =	wrdreg s4  }
0xaa: {  	[dreg:$0x3] =	wrdreg s6  }
0xab: {  	[dreg:$0x4] =	wrdreg $0xC0  }
0xac: {  	_ =	task [dreg:s8], $0x5FFFF  }
0xad: {  	[dreg:$0x1] =	wrdreg $0xFFFFFFFF  }
0xae: {  	[dreg:$0x0] =	wrdreg $0x60  }
0xaf: {  	[dreg:$0x2] =	wrdreg s2  }
0xb0: {  	[dreg:$0x3] =	wrdreg s18  }
0xb1: {  	[dreg:$0x4] =	wrdreg s24  }
0xb2: {  	[dreg:$0x5] =	wrdreg $0x9  }
0xb3: {  	_ =	task.clear_ibuf [dreg:s8], $0x6FFFF;
	_ =	strace $0x90000046  }
0xb4: {  	s29 =	simm.s32 $0x9;
	_ =	strace $0x80000048  }
0xb5: {  	_ =	swait.ge [sflag:s29], $0x1  }
0xb6: {  	[sflag:s29] =	ssyncadd.s32 $0xFFFFFFFF  }
0xb7: {  	_ =	strace $0x90000048  }
0xb8: {  	_ =	sfence  }
0xb9: {  	s30 =	sld [smem:$0x0];
	_ =	sdelay $0x2  }
0xba: {  	s31 =	sshll.u32 s1, $0xD;
	s1 =	sshrl.u32 s1, $0x2  }
0xbb: {  	s3 =	sand.u32 $0x4000, s31;
	s1 =	sadd.s32 s1, s30  }
0xbc: {  	s0 =	sor.u32 s3, s0;
	s1 =	sshll.u32 s1, $0x11  }
0xbd: {  	s0 =	sor.u32 s1, s0  }
0xbe: {  	s0 =	sadd.s32 $0x8F2B, s0  }
0xbf: {  	[sflag:s0] =	ssyncadd.remote.s32 $0x1  }
0xc0: {  	_ =	sfence.sel $0xFFFF  }
0xc1: {  	[dreg:$0x0] =	wrdreg $0xFFFFFFFF;
	(pc) =	sbr.abs _section_cstart, $3  }
0xc2: {  	[dreg:$0x1] =	wrdreg $0xFFFFFFFF  }
0xc3: {  	_ =	task.clear_ibuf [dreg:s8], $0x2FFFF;
	_ =	strace $0x9FFFFFFF  }
0xc4: {  	(tm) =	ssettm $0x7FFFFFFF  }
0xc5: {  	_ =	shalt  }
tec
execute0_lowered:
.L_overlay_start_1:
0x0: {  	(tag) =	ssettag $0x1  }
0x1: {  	s8 =	rddreg [dreg:$0x0]  }
0x2: {  	s0 =	stileid.u32;
	s6 =	rddreg [dreg:$0x1]  }
0x3: {  	s1 =	srdreg.scid;
	s7 =	rddreg [dreg:$0x2]  }
0x4: {  	s13 =	simm.s32 $0x1;
	s14 =	simm.s32 $0x5000;
	s15 =	simm.s32 $0xA000  }
0x5: {  	s16 =	simm.s32 $0xB000;
	s17 =	simm.s32 $0x10000;
	s18 =	simm.s32 $0x0  }
0x6: {  	s2 =	sshll.u32 s0, $0x1;
	s5 =	sand.u32 $0x1, s1;
	s1 =	rddreg [dreg:$0x3]  }
0x7: {  	s10 =	sshrl.u32 s0, $0x1;
	s30 =	sand.u32 $0x2, s2;
	s2 =	simm.s32 $0x0  }
0x8: {  	s4 =	sshll.u32 s10, $0x7;
	s11 =	ssub.s32 $0x2, s5;
	s3 =	sor.u32 s5, s30  }
0x9: {  	s10 =	sshll.u32 s10, $0xF;
	[smem:$0x7FF] =	sst s2;
	s9 =	smul.u32 $0xA00, s3  }
0xa: {  	s5 =	sadd.s32 $0x3200, s7;
	s31 =	sshrl.u32 s11, $0x1;
	s3 =	smul.u32 $0x28000, s3  }
0xb: {  	s8 =	sadd.s32 s8, s10;
	_ =	strace $0x80000047;
	s11 =	ssub.s32 s11, s31  }
0xc: {  	s9 =	sadd.s32 s9, s7;
	s12 =	sor.u32 s4, s3;
	s10 =	sor.u32 $0x500000, s3  }
0xd: {  	s12 =	sshrl.u32 s12, $0x3;
	s7 =	sadd.s32 $0xA00, s9;
	s9 =	smax.u32 s11, $0x1  }
0xe: {  	s11 =	simm.s32 $0x80;
	s6 =	sadd.s32 s6, s12;
	s12 =	simm.s32 $0x400  }
.LBB2_1:
0xf: {  	[tilespmem:s2], [sflag:$0x1] =	stream.strided.gather [hbm4b:s6+s11], $0x5000, s12, s11, $0x38;
	[tilespmem:$0x15000] =	vst v63  }
0x10: {  	_ =	swait.ge [sflag:s13], $0x5000  }
0x11: {  	[sflag:s13] =	ssyncset.done $0x0  }
0x12: {  	[sflag:s13] =	ssyncadd.s32 $0xFFFFB000  }
0x13: {  	[tilespmem:s14], [sflag:$0x1] =	stream.linear.gather [hbm4b:s7+s2], $0x5000, $0x38;
	[tilespmem:$0x15000] =	vst v63  }
0x14: {  	_ =	swait.ge [sflag:s13], $0x5000  }
0x15: {  	[sflag:s13] =	ssyncset.done $0x0  }
0x16: {  	s19 =	simm.s32 $0x0;
	[sflag:s13] =	ssyncadd.s32 $0xFFFFB000  }
.LBB2_2:
0x17: {  	s20 =	sshll.u32 s19, $0x9  }
0x18: {  	s21 =	sshll.u32 s19, $0x4;
	s20 =	sand.u32 $0x7000, s20  }
0x19: {  	s21 =	sand.u32 $0x70, s21;
	s20 =	sadd.s32 s20, s8  }
0x1a: {  	s20 =	sadd.s32 s21, s20  }
0x1b: {  	[tilespmem:s15], [sflag:$0x1] =	stream.strided.gather [hbm4b:s20+s11], $0x1000, s12, s11, $0x38;
	[tilespmem:$0x15000] =	vst v63  }
0x1c: {  	_ =	swait.ge [sflag:s13], $0x1000  }
0x1d: {  	[sflag:s13] =	ssyncset.done $0x0  }
0x1e: {  	s20 =	simm.s32 $0x0;
	[sflag:s13] =	ssyncadd.s32 $0xFFFFF000  }
0x1f: {  	v0 =	vld [tilespmem:s20+$0x0]  }
0x20: {  	v1 =	vld [tilespmem:s20+$0x5000];
	_ =	sdelay $0x5  }
0x21: {  	v2 =	vld [tilespmem:s20+$0x10]  }
0x22: {  	v0 =	vld.idx.msk [tilespmem:v0+s15+$0x0], $0xffff  }
0x23: {  	v1 =	vld.idx.msk [tilespmem:v1+s15+$0x0], $0xffff  }
0x24: {  	v3 =	vld [tilespmem:s20+$0x5010];
	_ =	sdelay $0x3  }
0x25: {  	v0 =	vsub.f32 v0, v1  }
0x26: {  	[tilespmem:s20+$0x10000] =	vst v1  }
0x27: {  	[tilespmem:s20+$0xB000] =	vst v0  }
0x28: {  	v0 =	vld.idx.msk [tilespmem:v2+s15+$0x0], $0xffff  }
0x29: {  	v1 =	vld.idx.msk [tilespmem:v3+s15+$0x0], $0xffff  }
0x2a: {  	v2 =	vld [tilespmem:s20+$0x20]  }
0x2b: {  	v3 =	vld [tilespmem:s20+$0x5020];
	_ =	sdelay $0x3  }
0x2c: {  	v0 =	vsub.f32 v0, v1  }
0x2d: {  	[tilespmem:s20+$0x10010] =	vst v1  }
0x2e: {  	[tilespmem:s20+$0xB010] =	vst v0  }
0x2f: {  	v0 =	vld.idx.msk [tilespmem:v2+s15+$0x0], $0xffff  }
0x30: {  	v1 =	vld.idx.msk [tilespmem:v3+s15+$0x0], $0xffff  }
0x31: {  	v2 =	vld [tilespmem:s20+$0x30]  }
0x32: {  	v3 =	vld [tilespmem:s20+$0x5030];
	_ =	sdelay $0x3  }
0x33: {  	v0 =	vsub.f32 v0, v1  }
0x34: {  	[tilespmem:s20+$0x10020] =	vst v1  }
0x35: {  	[tilespmem:s20+$0xB020] =	vst v0  }
0x36: {  	v0 =	vld.idx.msk [tilespmem:v2+s15+$0x0], $0xffff  }
0x37: {  	v1 =	vld.idx.msk [tilespmem:v3+s15+$0x0], $0xffff  }
0x38: {  	v2 =	vld [tilespmem:s20+$0x40]  }
0x39: {  	v3 =	vld [tilespmem:s20+$0x5040];
	_ =	sdelay $0x3  }
0x3a: {  	v0 =	vsub.f32 v0, v1  }
0x3b: {  	[tilespmem:s20+$0x10030] =	vst v1  }
0x3c: {  	[tilespmem:s20+$0xB030] =	vst v0  }
0x3d: {  	v0 =	vld.idx.msk [tilespmem:v2+s15+$0x0], $0xffff  }
0x3e: {  	v1 =	vld.idx.msk [tilespmem:v3+s15+$0x0], $0xffff  }
0x3f: {  	v2 =	vld [tilespmem:s20+$0x50]  }
0x40: {  	v3 =	vld [tilespmem:s20+$0x5050];
	_ =	sdelay $0x3  }
0x41: {  	v0 =	vsub.f32 v0, v1  }
0x42: {  	[tilespmem:s20+$0x10040] =	vst v1  }
0x43: {  	[tilespmem:s20+$0xB040] =	vst v0  }
0x44: {  	v0 =	vld.idx.msk [tilespmem:v2+s15+$0x0], $0xffff  }
0x45: {  	v1 =	vld.idx.msk [tilespmem:v3+s15+$0x0], $0xffff  }
0x46: {  	v2 =	vld [tilespmem:s20+$0x60]  }
0x47: {  	v3 =	vld [tilespmem:s20+$0x5060];
	_ =	sdelay $0x3  }
0x48: {  	v0 =	vsub.f32 v0, v1  }
0x49: {  	[tilespmem:s20+$0x10050] =	vst v1  }
0x4a: {  	[tilespmem:s20+$0xB050] =	vst v0  }
0x4b: {  	v1 =	vld.idx.msk [tilespmem:v2+s15+$0x0], $0xffff  }
0x4c: {  	v2 =	vld.idx.msk [tilespmem:v3+s15+$0x0], $0xffff  }
0x4d: {  	v3 =	vld [tilespmem:s20+$0x70];
	_ =	sdelay $0x1  }
0x4e: {  	v0 =	vld [tilespmem:s20+$0x5070];
	_ =	sdelay $0x2  }
0x4f: {  	v1 =	vsub.f32 v1, v2  }
0x50: {  	[tilespmem:s20+$0x10060] =	vst v2  }
0x51: {  	[tilespmem:s20+$0xB060] =	vst v1  }
0x52: {  	s22 =	simm.s32 $0x400;
	s21 =	simm.s32 $0x200;
	v1 =	vld.idx.msk [tilespmem:v3+s15+$0x0], $0xffff  }
.LBB2_3:
0x53: {  	p0 =	sne.s32 s22, $0x13E00  }
0x54: {  	s23 =	sshra.s32 s21, $0x2;
	v0 =	vld.idx.msk [tilespmem:v0+s15+$0x0], $0xffff;
	s21 =	smov.u32 s22;
	s22 =	sadd.s32 $0x200, s22  }
0x55: {  	v2 =	vld [tilespmem:s23+$0x0]  }
0x56: {  	v3 =	vld [tilespmem:s23+$0x5000];
	_ =	sdelay $0x3  }
0x57: {  	v1 =	vsub.f32 v1, v0;
	[tilespmem:s20+$0x10070] =	vst v0;
	_ =	sdelay $0x1  }
0x58: {  	v0 =	vld [tilespmem:s23+$0x5010];
	[tilespmem:s20+$0xB070] =	vst v1;
	s20 =	smov.u32 s23  }
0x59: {  	v1 =	vld.idx.msk [tilespmem:v2+s15+$0x0], $0xffff  }
0x5a: {  	v2 =	vld.idx.msk [tilespmem:v3+s15+$0x0], $0xffff  }
0x5b: {  	v3 =	vld [tilespmem:s20+$0x10];
	_ =	sdelay $0x4  }
0x5c: {  	v1 =	vsub.f32 v1, v2  }
0x5d: {  	[tilespmem:s20+$0x10000] =	vst v2  }
0x5e: {  	[tilespmem:s20+$0xB000] =	vst v1;
	v1 =	vld [tilespmem:s20+$0x5020]  }
0x5f: {  	v2 =	vld.idx.msk [tilespmem:v3+s15+$0x0], $0xffff  }
0x60: {  	v0 =	vld.idx.msk [tilespmem:v0+s15+$0x0], $0xffff  }
0x61: {  	v3 =	vld [tilespmem:s20+$0x20];
	_ =	sdelay $0x4  }
0x62: {  	v2 =	vsub.f32 v2, v0;
	[tilespmem:s20+$0x10010] =	vst v0;
	_ =	sdelay $0x1  }
0x63: {  	[tilespmem:s20+$0xB010] =	vst v2;
	v0 =	vld [tilespmem:s20+$0x5030]  }
0x64: {  	v2 =	vld.idx.msk [tilespmem:v3+s15+$0x0], $0xffff  }
0x65: {  	v1 =	vld.idx.msk [tilespmem:v1+s15+$0x0], $0xffff  }
0x66: {  	v3 =	vld [tilespmem:s20+$0x30];
	_ =	sdelay $0x4  }
0x67: {  	v2 =	vsub.f32 v2, v1;
	[tilespmem:s20+$0x10020] =	vst v1;
	_ =	sdelay $0x1  }
0x68: {  	[tilespmem:s20+$0xB020] =	vst v2;
	v1 =	vld [tilespmem:s20+$0x5040]  }
0x69: {  	v2 =	vld.idx.msk [tilespmem:v3+s15+$0x0], $0xffff  }
0x6a: {  	v0 =	vld.idx.msk [tilespmem:v0+s15+$0x0], $0xffff  }
0x6b: {  	v3 =	vld [tilespmem:s20+$0x40];
	_ =	sdelay $0x4  }
0x6c: {  	v2 =	vsub.f32 v2, v0;
	[tilespmem:s20+$0x10030] =	vst v0;
	_ =	sdelay $0x1  }
0x6d: {  	[tilespmem:s20+$0xB030] =	vst v2;
	v0 =	vld [tilespmem:s20+$0x5050]  }
0x6e: {  	v2 =	vld.idx.msk [tilespmem:v3+s15+$0x0], $0xffff  }
0x6f: {  	v1 =	vld.idx.msk [tilespmem:v1+s15+$0x0], $0xffff  }
0x70: {  	v3 =	vld [tilespmem:s20+$0x50];
	_ =	sdelay $0x4  }
0x71: {  	v2 =	vsub.f32 v2, v1;
	[tilespmem:s20+$0x10040] =	vst v1;
	_ =	sdelay $0x1  }
0x72: {  	[tilespmem:s20+$0xB040] =	vst v2;
	v1 =	vld [tilespmem:s20+$0x5060]  }
0x73: {  	v2 =	vld.idx.msk [tilespmem:v3+s15+$0x0], $0xffff  }
0x74: {  	v0 =	vld.idx.msk [tilespmem:v0+s15+$0x0], $0xffff  }
0x75: {  	v3 =	vld [tilespmem:s20+$0x60];
	_ =	sdelay $0x4  }
0x76: {  	v2 =	vsub.f32 v2, v0;
	[tilespmem:s20+$0x10050] =	vst v0;
	_ =	sdelay $0x1  }
0x77: {  	[tilespmem:s20+$0xB050] =	vst v2;
	v0 =	vld [tilespmem:s20+$0x5070]  }
0x78: {  	v2 =	vld.idx.msk [tilespmem:v3+s15+$0x0], $0xffff  }
0x79: {  	v1 =	vld.idx.msk [tilespmem:v1+s15+$0x0], $0xffff  }
0x7a: {  	v3 =	vld [tilespmem:s20+$0x70];
	_ =	sdelay $0x3  }
.Ltmp0:
0x7b: {  	(pc) =	sbr.rel @p0 .LBB2_3-.Ltmp0, $3  }
0x7c: {  	v2 =	vsub.f32 v2, v1;
	[tilespmem:s20+$0x10060] =	vst v1;
	_ =	sdelay $0x1  }
0x7d: {  	[tilespmem:s20+$0xB060] =	vst v2  }
0x7e: {  	v1 =	vld.idx.msk [tilespmem:v3+s15+$0x0], $0xffff  }
0x7f: {  	_ =	sdelay $0x3  }
0x80: {  	s21 =	sshra.s32 s21, $0x2;
	v0 =	vld.idx.msk [tilespmem:v0+s15+$0x0], $0xffff  }
0x81: {  	v2 =	vld [tilespmem:s21+$0x0]  }
0x82: {  	v3 =	vld [tilespmem:s21+$0x5000];
	_ =	sdelay $0x2  }
0x83: {  	v1 =	vsub.f32 v1, v0  }
0x84: {  	[tilespmem:s20+$0x10070] =	vst v0  }
0x85: {  	v0 =	vld [tilespmem:s21+$0x5010];
	[tilespmem:s20+$0xB070] =	vst v1  }
0x86: {  	v51 =	vld [tilespmem:s21+$0x10]  }
0x87: {  	v1 =	vld.idx.msk [tilespmem:v2+s15+$0x0], $0xffff  }
0x88: {  	v50 =	vld.idx.msk [tilespmem:v3+s15+$0x0], $0xffff;
	_ =	sdelay $0x4  }
0x89: {  	v1 =	vsub.f32 v1, v50  }
0x8a: {  	[tilespmem:s21+$0x10000] =	vst v50  }
0x8b: {  	v52 =	vld [tilespmem:s21+$0x20];
	[tilespmem:s21+$0xB000] =	vst v1  }
0x8c: {  	v1 =	vld.idx.msk [tilespmem:v51+s15+$0x0], $0xffff  }
0x8d: {  	v0 =	vld.idx.msk [tilespmem:v0+s15+$0x0], $0xffff  }
0x8e: {  	v53 =	vld [tilespmem:s21+$0x5020];
	_ =	sdelay $0x3  }
0x8f: {  	v1 =	vsub.f32 v1, v0  }
0x90: {  	[tilespmem:s21+$0x10010] =	vst v0  }
0x91: {  	v54 =	vld [tilespmem:s21+$0x30];
	[tilespmem:s21+$0xB010] =	vst v1  }
0x92: {  	v0 =	vld.idx.msk [tilespmem:v52+s15+$0x0], $0xffff  }
0x93: {  	v1 =	vld.idx.msk [tilespmem:v53+s15+$0x0], $0xffff  }
0x94: {  	v55 =	vld [tilespmem:s21+$0x5030];
	_ =	sdelay $0x3  }
0x95: {  	v0 =	vsub.f32 v0, v1  }
0x96: {  	[tilespmem:s21+$0x10020] =	vst v1  }
0x97: {  	v56 =	vld [tilespmem:s21+$0x40];
	[tilespmem:s21+$0xB020] =	vst v0  }
0x98: {  	v0 =	vld.idx.msk [tilespmem:v54+s15+$0x0], $0xffff  }
0x99: {  	v1 =	vld.idx.msk [tilespmem:v55+s15+$0x0], $0xffff  }
0x9a: {  	v57 =	vld [tilespmem:s21+$0x5040];
	_ =	sdelay $0x3  }
0x9b: {  	v0 =	vsub.f32 v0, v1  }
0x9c: {  	[tilespmem:s21+$0x10030] =	vst v1  }
0x9d: {  	v58 =	vld [tilespmem:s21+$0x50];
	[tilespmem:s21+$0xB030] =	vst v0  }
0x9e: {  	v0 =	vld.idx.msk [tilespmem:v56+s15+$0x0], $0xffff  }
0x9f: {  	v1 =	vld.idx.msk [tilespmem:v57+s15+$0x0], $0xffff  }
0xa0: {  	v59 =	vld [tilespmem:s21+$0x5050];
	_ =	sdelay $0x3  }
0xa1: {  	v0 =	vsub.f32 v0, v1  }
0xa2: {  	[tilespmem:s21+$0x10040] =	vst v1  }
0xa3: {  	v60 =	vld [tilespmem:s21+$0x60];
	[tilespmem:s21+$0xB040] =	vst v0  }
0xa4: {  	v0 =	vld.idx.msk [tilespmem:v58+s15+$0x0], $0xffff  }
0xa5: {  	v1 =	vld.idx.msk [tilespmem:v59+s15+$0x0], $0xffff  }
0xa6: {  	v61 =	vld [tilespmem:s21+$0x5060];
	_ =	sdelay $0x3  }
0xa7: {  	v0 =	vsub.f32 v0, v1  }
0xa8: {  	[tilespmem:s21+$0x10050] =	vst v1  }
0xa9: {  	v62 =	vld [tilespmem:s21+$0x70];
	[tilespmem:s21+$0xB050] =	vst v0  }
0xaa: {  	v0 =	vld.idx.msk [tilespmem:v60+s15+$0x0], $0xffff  }
0xab: {  	v1 =	vld.idx.msk [tilespmem:v61+s15+$0x0], $0xffff  }
0xac: {  	v63 =	vld [tilespmem:s21+$0x5070];
	_ =	sdelay $0x3  }
0xad: {  	v0 =	vsub.f32 v0, v1  }
0xae: {  	[tilespmem:s21+$0x10060] =	vst v1  }
0xaf: {  	[tilespmem:s21+$0xB060] =	vst v0  }
0xb0: {  	v0 =	vld.idx.msk [tilespmem:v62+s15+$0x0], $0xffff  }
0xb1: {  	s29 =	sor.u32 s4, s19;
	v1 =	vld.idx.msk [tilespmem:v63+s15+$0x0], $0xffff  }
0xb2: {  	s20 =	sshrl.u32 s29, $0x3  }
0xb3: {  	s20 =	smul.u32 $0xA0000, s20  }
0xb4: {  	s22 =	sshll.u32 s19, $0x7  }
0xb5: {  	s22 =	sand.u32 $0x380, s22;
	s23 =	sadd.s32 s3, s20  }
0xb6: {  	s23 =	sor.u32 s22, s23;
	v0 =	vsub.f32 v0, v1  }
0xb7: {  	s23 =	sshrl.u32 s23, $0x3;
	[tilespmem:s21+$0x10070] =	vst v1  }
0xb8: {  	s31 =	sor.u32 s10, s22;
	s30 =	sadd.s32 s5, s23;
	[tilespmem:s21+$0xB070] =	vst v0  }
0xb9: {  	[hbm4b:s30+s11] =	stream.strided.scatter [tilespmem:s16], [sflag:$0x1], $0x5000, s12, s11, $0x38;
	[tilespmem:$0x15000] =	vst v63  }
0xba: {  	s19 =	sadd.s32 $0x1, s19;
	s20 =	sadd.s32 s20, s31;
	_ =	swait.ge [sflag:s13], $0x5000  }
0xbb: {  	p0 =	sne.s32 s19, $0x40;
	s20 =	sshrl.u32 s20, $0x3;
	[sflag:s13] =	ssyncset.done $0x0  }
.Ltmp1:
0xbc: {  	s20 =	sadd.s32 s5, s20;
	[sflag:s13] =	ssyncadd.s32 $0xFFFFB000;
	(pc) =	sbr.rel @p0 .LBB2_2-.Ltmp1, $4  }
0xbd: {  	[hbm4b:s20+s11] =	stream.strided.scatter [tilespmem:s17], [sflag:$0x1], $0x5000, s12, s11, $0x38;
	[tilespmem:$0x15000] =	vst v63  }
0xbe: {  	_ =	swait.ge [sflag:s13], $0x5000  }
0xbf: {  	[sflag:s13] =	ssyncset.done $0x0  }
0xc0: {  	[sflag:s13] =	ssyncadd.s32 $0xFFFFB000  }
0xc1: {  	s18 =	sadd.s32 $0x1, s18  }
0xc2: {  	p0 =	sne.s32 s18, s9  }
.Ltmp2:
0xc3: {  	_ = 	snop;
	(pc) =	sbr.rel @p0 .LBB2_1-.Ltmp2, $1  }
0xc4: {  	_ =	sdelay $0x3  }
0xc5: {  	_ =	sfence.sel $0x180000  }
0xc6: {  	[bflag:$0x0] =	sbarrier.arrive $0xFFFF  }
0xc7: {  	p0 =	sne.s32 s0, $0x0;
	_ =	strace $0x90000047  }
0xc8: {  	s0 =	sadd.s32 @!p0 $0x100000, s1;
	[bflag:$0x2] =	sbarrier.arrive $0xFFFF  }
0xc9: {  	[sflag:s0] =	ssyncadd.tile.s32 @!p0 $0x1;
	_ =	shalt  }
.Lfunc_end2:
_tile_overlayer_lowered:
.L_overlay_start_2:
0xca: {  	(tag) =	ssettag $0x2  }
0xcb: {  	s0 =	rddreg [dreg:$0x0];
	s2 =	stileid.u32  }
0xcc: {  	s1 =	rddreg [dreg:$0x1];
	p0 =	sne.s32 s2, $0x0  }
0xcd: {  	s3 =	rddreg [dreg:$0x2];
	[bflag:$0x3] =	sbarrier.arrive $0xFFFF;
	s2 =	simm.s32 @!p0 $0x1C01  }
0xce: {  	[timem:s3], [sflag:s2] =	dma.local @!p0 [hbm:s0], s1  }
0xcf: {  	s0 =	simm.s32 @!p0 $0x1  }
0xd0: {  	_ =	swait.ge @!p0 [sflag:s0], s1  }
0xd1: {  	s1 =	ssub.s32 @!p0 $0x0, s1;
	[sflag:s0] =	ssyncset.done @!p0 $0x0  }
0xd2: {  	[sflag:s0] =	ssyncadd.s32 @!p0 s1  }
0xd3: {  	[bflag:$0x3] =	sbarrier.arrive $0xFFFF  }
0xd4: {  	_ =	shalt  }

// kernel: sparse-core-data-format-call.cloned.1.call-start
scs
called_computation_lowered:
.L_overlay_start_0:
0x0: {  	s2 =	sld [smem:$0x3FD9]  }
0x1: {  	s3 =	sld [smem:$0x3FFE];
	_ =	sdelay $0x1  }
0x2: {  	s1 =	srdreg.scid  }
0x3: {  	s0 =	sand.u32 $0x1, s1  }
0x4: {  	s18 =	sshll.u32 s0, $0xA;
	s2 =	sadd.s32 s3, s2  }
0x5: {  	s2 =	sadd.s32 s2, s18  }
0x6: {  	[smem:$0x3FC6] =	sst s2  }
0x7: {  	_ = 	snop  }
0x8: {  	s2 =	sld [smem:$0x3FD0];
	(tm) =	ssettm $0x1  }
0x9: {  	s19 =	sld [smem:$0x3FFB];
	_ =	sdelay $0x3  }
0xa: {  	_ =	strace s19  }
0xb: {  	s3 =	sld [smem:$0x3FFC];
	_ =	sdelay $0x3  }
0xc: {  	_ =	strace s3  }
0xd: {  	s3 =	sld [smem:$0x3FFD];
	_ =	sdelay $0x3  }
0xe: {  	_ =	strace s3  }
0xf: {  	_ =	strace $0x8FFFFFFF  }
0x10: {  	s20 =	sld [smem:$0x3FDB];
	_ =	sdelay $0x1  }
0x11: {  	s4 =	simm.s32 $_scs_section_size  }
0x12: {  	s5 =	simm.s32 $_size__tile_overlayer_lowered;
	s6 =	simm.s32 $_tile_overlayer_lowered  }
0x13: {  	s23 =	simm.s32 $0x1BFF;
	s22 =	sshll.u32 s6, $0x1;
	s3 =	sadd.s32 s4, s20  }
0x14: {  	s7 =	simm.s32 $0x0;
	s21 =	sshll.u32 s5, $0x1;
	s5 =	sadd.s32 s22, s3  }
0x15: {  	[timem:s7], [sflag:s23] =	dma.local [hbm:s5], s21  }
0x16: {  	_ =	swait.ge [sflag:s23], s21  }
0x17: {  	s4 =	ssub.s32 $0x0, s21;
	[sflag:s23] =	ssyncset.done $0x0  }
0x18: {  	[sflag:s23] =	ssyncadd.s32 s4;
	_ =	sdelay $0x1  }
0x19: {  	s24 =	simm.s32 $0x1B8B  }
0x1a: {  	_ =	swait.ge [sflag:s24], $0x1  }
0x1b: {  	[sflag:s24] =	ssyncset.done $0x0  }
0x1c: {  	s26 =	simm.s32 $0x1B8E;
	s25 =	sld [smem:$0x3FFE];
	[sflag:s24] =	ssyncadd.s32 $0xFFFFFFFF  }
0x1d: {  	s27 =	simm.s32 $execute0_lowered;
	[smem:$0x3FD2] =	sst s26  }
0x1e: {  	s5 =	sshll.u32 s27, $0x1;
	_ =	strace $0x80000049;
	[dreg:$0x1] =	wrdreg $0xFFFFFFFF  }
0x1f: {  	s28 =	simm.s32 $_size_execute0_lowered;
	s3 =	sadd.s32 s3, s5;
	[dreg:$0x0] =	wrdreg $0x0  }
0x20: {  	s5 =	sshll.u32 s28, $0x1;
	[dreg:$0x2] =	wrdreg s3  }
0x21: {  	[dreg:$0x3] =	wrdreg s5  }
0x22: {  	[dreg:$0x4] =	wrdreg $0xC0  }
0x23: {  	_ =	task [dreg:s7], $0x5FFFF  }
0x24: {  	[dreg:$0x1] =	wrdreg $0xFFFFFFFF  }
0x25: {  	[dreg:$0x0] =	wrdreg $0x60  }
0x26: {  	[dreg:$0x2] =	wrdreg s25  }
0x27: {  	[dreg:$0x3] =	wrdreg s2  }
0x28: {  	[dreg:$0x4] =	wrdreg $0x9  }
0x29: {  	_ =	task.clear_ibuf [dreg:s7], $0x5FFFF;
	_ =	strace $0x90000049  }
0x2a: {  	s29 =	simm.s32 $0x9;
	_ =	strace $0x8000004B  }
0x2b: {  	_ =	swait.ge [sflag:s29], $0x1  }
0x2c: {  	[sflag:s29] =	ssyncadd.s32 $0xFFFFFFFF  }
0x2d: {  	_ =	strace $0x9000004B  }
0x2e: {  	_ =	sfence  }
0x2f: {  	s30 =	sld [smem:$0x0];
	_ =	sdelay $0x2  }
0x30: {  	s31 =	sshll.u32 s1, $0xD;
	s1 =	sshrl.u32 s1, $0x2  }
0x31: {  	s3 =	sand.u32 $0x4000, s31;
	s1 =	sadd.s32 s1, s30  }
0x32: {  	s0 =	sor.u32 s3, s0;
	s1 =	sshll.u32 s1, $0x11  }
0x33: {  	s0 =	sor.u32 s1, s0  }
0x34: {  	s0 =	sadd.s32 $0x8F2B, s0  }
0x35: {  	[sflag:s0] =	ssyncadd.remote.s32 $0x1  }
0x36: {  	_ =	sfence.sel $0xFFFF  }
0x37: {  	[dreg:$0x0] =	wrdreg $0xFFFFFFFF;
	(pc) =	sbr.abs _section_cstart, $3  }
0x38: {  	[dreg:$0x1] =	wrdreg $0xFFFFFFFF  }
0x39: {  	_ =	task.clear_ibuf [dreg:s7], $0x2FFFF;
	_ =	strace $0x9FFFFFFF  }
0x3a: {  	(tm) =	ssettm $0x7FFFFFFF  }
0x3b: {  	_ =	shalt  }
tec
execute0_lowered:
.L_overlay_start_1:
0x0: {  	(tag) =	ssettag $0x1  }
0x1: {  	s0 =	srdreg.scid  }
0x2: {  	s1 =	sshll.u32 s0, $0x4  }
0x3: {  	s6 =	rddreg [dreg:$0x0];
	s0 =	stileid.u32;
	s1 =	sand.u32 $0x10, s1  }
0x4: {  	s3 =	rddreg [dreg:$0x1];
	s1 =	sor.u32 s0, s1  }
0x5: {  	s5 =	simm.s32 $0x1;
	s31 =	simm.s32 $0x2;
	s2 =	sshll.u32 s1, $0x7  }
0x6: {  	s13 =	simm.s32 $0x0;
	s8 =	simm.s32 $0x8000;
	s4 =	ssub.s32 $0x1000, s2  }
0x7: {  	s15 =	simm.s32 $0x0;
	s14 =	simm.s32 $0x0;
	s30 =	sand.u32 $0xF80, s4  }
0x8: {  	s9 =	simm.s32 $0x0;
	s10 =	simm.s32 $0x0;
	p0 =	sne.s32 s30, $0x0  }
.Ltmp0:
0x9: {  	s7 =	sshrl.u32 s4, $0xC;
	s5 =	simm.s32 @!p0 $0x0;
	(pc) =	sbr.rel .LBB1_1-.Ltmp0, $4  }
0xa: {  	s12 =	simm.s32 $0x0;
	s1 =	rddreg [dreg:$0x2];
	s5 =	sadd.s32 s5, s7  }
0xb: {  	_ =	strace $0x8000004A;
	s4 =	simm.s32 $0x1;
	s5 =	smul.u32 $0xA0, s5  }
0xc: {  	s6 =	sadd.s32 $0xA00, s6;
	s11 =	smov.u32 s2;
	[sflag:s4] =	ssyncpa.u1 $0x0  }
0xd: {  	[sflag:s31] =	ssyncpa.u1 $0x0;
	p0 =	por $0x0, $0x0;
	s7 =	sor.u32 $0x1, s5  }
.LBB1_4:
0xe: {  	v5 =	vld [tilespmem:s19+$0xFFFFFFD0];
	[tilespmem:s18+$0x2040 ss:$0x81] =	vst.msk $0xffff, v1  }
0xf: {  	v58 =	vld [tilespmem:s19+$0xFFFFFFE0];
	[tilespmem:s18+$0x2850 ss:$0x81] =	vst.msk $0xffff, v2  }
0x10: {  	s20 =	sshra.s32 s20, $0x2;
	v59 =	vld [tilespmem:s19+$0xFFFFFFF0];
	[tilespmem:s18+$0x3060 ss:$0x81] =	vst.msk $0xffff, v3  }
0x11: {  	v60 =	vld [tilespmem:s19+$0x0];
	[tilespmem:s18+$0x0 ss:$0x81] =	vst.msk $0xffff, v0;
	s17 =	sadd.s32 s20, s17  }
0x12: {  	v61 =	vld [tilespmem:s19+$0x10];
	[tilespmem:s17+$0x3870 ss:$0x81] =	vst.msk $0xffff, v4  }
0x13: {  	v62 =	vld [tilespmem:s19+$0x20];
	[tilespmem:s17+$0x810 ss:$0x81] =	vst.msk $0xffff, v5  }
0x14: {  	v63 =	vld [tilespmem:s19+$0xFFFFFFC0];
	s28 =	sshll.u32 s14, $0x3;
	[tilespmem:s17+$0x1020 ss:$0x81] =	vst.msk $0xffff, v58  }
0x15: {  	s29 =	sand.u32 $0x78, s14;
	s30 =	sand.u32 $0xFE00, s14;
	s13 =	smul.u32 $0x140000, s13;
	[tilespmem:s17+$0x1830 ss:$0x81] =	vst.msk $0xffff, v59  }
0x16: {  	s15 =	sshll.u32 s15, $0x10;
	s18 =	sand.u32 $0xC00, s28;
	s20 =	sadd.s32 s3, s30;
	[tilespmem:s17+$0x2040 ss:$0x81] =	vst.msk $0xffff, v60  }
0x17: {  	s31 =	sand.u32 $0x7, s14;
	s18 =	sor.u32 s29, s18;
	s15 =	sadd.s32 s15, s20;
	[tilespmem:s17+$0x2850 ss:$0x81] =	vst.msk $0xffff, v61  }
0x18: {  	s14 =	sshll.u32 s31, $0x12;
	s18 =	sshrl.u32 s18, $0x3;
	s13 =	sadd.s32 s13, s15;
	[tilespmem:s17+$0x3060 ss:$0x81] =	vst.msk $0xffff, v62  }
0x19: {  	s14 =	sor.u32 $0x400, s14;
	s13 =	sadd.s32 s18, s13;
	[tilespmem:s17+$0x0 ss:$0x81] =	vst.msk $0xffff, v63  }
0x1a: {  	[hbm4b:s13+s14] =	stream.strided.scatter [tilespmem:s16], [sflag:$0x2], $0x4000, s8, s14, $0x20;
	[tilespmem:$0x10100] =	vst v63  }
.LBB1_5:
0x1b: {  	s16 =	sadd.s32 $0x1, s9  }
0x1c: {  	s13 =	simm.s32 $0x1;
	p2 =	sgt.s32 s16, $0x7  }
0x1d: {  	s13 =	simm.s32 @!p2 $0x0  }
0x1e: {  	s17 =	sadd.s32 s13, s10  }
0x1f: {  	s19 =	smov.u32 s11;
	s13 =	sadd.s32 $0x1000, s11;
	p3 =	sgt.s32 s17, $0x13  }
0x20: {  	s19 =	smov.u32 @p3 s13  }
0x21: {  	p1 =	slt.u32 s12, $0x2;
	s16 =	simm.s32 @p2 $0x0;
	p2 =	sgt.s32 s19, $0xFFF  }
0x22: {  	s18 =	simm.s32 @!p1 $0x2;
	s19 =	smov.u32 @p2 s2;
	p2 =	sne.s32 s12, s7  }
.Ltmp1:
0x23: {  	_ =	swait.ge @!p1 [sflag:s18], $0x4000;
	(pc) =	sbr.rel @!p2 .LBB1_6-.Ltmp1, $4  }
0x24: {  	s15 =	smov.u32 s10;
	[sflag:s18] =	ssyncset.done @!p1 $0x0  }
0x25: {  	s14 =	smov.u32 s11;
	p0 =	por !p0, !p0;
	[sflag:s18] =	ssyncadd.s32 @!p1 $0xFFFFC000  }
0x26: {  	s17 =	simm.s32 @p3 $0x0;
	s13 =	smov.u32 s9;
	s9 =	smov.u32 s16  }
0x27: {  	s10 =	smov.u32 s17;
	s12 =	sadd.s32 $0x1, s12;
	s11 =	smov.u32 s19  }
.LBB1_1:
0x28: {  	p1 =	sge.u32 s12, s5  }
0x29: {  	s17 =	smul.u32 @!p1 $0xA00, s11  }
0x2a: {  	s31 =	sadd.s32 $0xFFFFFFFF, s12;
	s16 =	sxor.u32 @!p1 $0xFFFFFFFF, s12;
	s18 =	sshll.u32 @!p1 s10, $0x7  }
0x2b: {  	s19 =	sshll.u32 @!p1 s9, $0x4;
	s16 =	sshll.u32 @!p1 s16, $0xE;
	s17 =	sadd.s32 @!p1 s6, s17  }
0x2c: {  	s19 =	sand.u32 @!p1 $0x70, s19;
	s16 =	sand.u32 @!p1 $0x4000, s16;
	s17 =	sadd.s32 @!p1 s18, s17  }
0x2d: {  	s18 =	simm.s32 @!p1 $0x80;
	s17 =	sadd.s32 @!p1 s19, s17;
	s19 =	simm.s32 @!p1 $0x5000  }
0x2e: {  	[tilespmem:s16], [sflag:$0x1] =	stream.strided.gather @!p1 [hbm4b:s17+s18], $0x4000, s19, s18, $0x38;
	[tilespmem:$0x10100] =	vst v63  }
0x2f: {  	p1 =	sge.u32 s31, s5  }
.Ltmp2:
0x30: {  	_ = 	snop;
	(pc) =	sbr.rel @p1 .LBB1_5-.Ltmp2, $1  }
0x31: {  	_ =	sdelay $0x3  }
0x32: {  	s16 =	simm.s32 $0x1  }
0x33: {  	_ =	swait.ge [sflag:s4], $0x4000;
	s16 =	simm.s32 @!p0 $0x0  }
0x34: {  	[sflag:s4] =	ssyncset.done $0x0;
	s17 =	sshll.u32 s16, $0xE  }
0x35: {  	[sflag:s4] =	ssyncadd.s32 $0xFFFFC000;
	s19 =	sor.u32 $0x40, s17  }
0x36: {  	s16 =	smul.u32 $0x10200, s16;
	v0 =	vld [tilespmem:s19+$0x30]  }
0x37: {  	v3 =	vld [tilespmem:s19+$0xFFFFFFD0]  }
0x38: {  	s16 =	sshrl.u32 s16, $0x2;
	v4 =	vld [tilespmem:s19+$0xFFFFFFE0]  }
0x39: {  	v5 =	vld [tilespmem:s19+$0xFFFFFFF0];
	s17 =	sor.u32 $0x8000, s16  }
0x3a: {  	s31 =	sand.u32 $0x1, s12;
	v1 =	vld [tilespmem:s19+$0x0];
	s18 =	sadd.s32 $0x0, s17  }
0x3b: {  	v2 =	vld [tilespmem:s19+$0x10];
	s16 =	smul.u32 $0x10200, s31;
	[tilespmem:s18+$0x3870 ss:$0x81] =	vst.msk $0xffff, v0  }
0x3c: {  	[tilespmem:s18+$0x810 ss:$0x81] =	vst.msk $0xffff, v3;
	v3 =	vld [tilespmem:s19+$0x20]  }
0x3d: {  	s16 =	sshrl.u32 s16, $0x2;
	v0 =	vld [tilespmem:s19+$0xFFFFFFC0];
	[tilespmem:s18+$0x1020 ss:$0x81] =	vst.msk $0xffff, v4;
	s19 =	sadd.s32 $0x80, s19  }
0x3e: {  	s20 =	simm.s32 $0x4;
	s21 =	simm.s32 $0x8;
	s16 =	sor.u32 $0x8000, s16;
	[tilespmem:s18+$0x1830 ss:$0x81] =	vst.msk $0xffff, v5;
	v4 =	vld [tilespmem:s19+$0x30]  }
.LBB1_3:
0x3f: {  	p1 =	sne.s32 s21, $0x1FC;
	v5 =	vld [tilespmem:s19+$0xFFFFFFD0];
	[tilespmem:s18+$0x2040 ss:$0x81] =	vst.msk $0xffff, v1  }
0x40: {  	v6 =	vld [tilespmem:s19+$0xFFFFFFE0];
	[tilespmem:s18+$0x2850 ss:$0x81] =	vst.msk $0xffff, v2  }
0x41: {  	s22 =	sshra.s32 s20, $0x2;
	s20 =	smov.u32 s21;
	v7 =	vld [tilespmem:s19+$0xFFFFFFF0];
	[tilespmem:s18+$0x3060 ss:$0x81] =	vst.msk $0xffff, v3  }
.Ltmp3:
0x42: {  	v1 =	vld [tilespmem:s19+$0x0];
	[tilespmem:s18+$0x0 ss:$0x81] =	vst.msk $0xffff, v0;
	s18 =	sadd.s32 s22, s17;
	(pc) =	sbr.rel @p1 .LBB1_3-.Ltmp3, $4  }
0x43: {  	v2 =	vld [tilespmem:s19+$0x10];
	[tilespmem:s18+$0x3870 ss:$0x81] =	vst.msk $0xffff, v4  }
0x44: {  	[tilespmem:s18+$0x810 ss:$0x81] =	vst.msk $0xffff, v5;
	v3 =	vld [tilespmem:s19+$0x20]  }
0x45: {  	v0 =	vld [tilespmem:s19+$0xFFFFFFC0];
	[tilespmem:s18+$0x1020 ss:$0x81] =	vst.msk $0xffff, v6;
	s19 =	sadd.s32 $0x80, s19  }
0x46: {  	s21 =	sadd.s32 $0x4, s21;
	v4 =	vld [tilespmem:s19+$0x30];
	[tilespmem:s18+$0x1830 ss:$0x81] =	vst.msk $0xffff, v7  }
.Ltmp4:
0x47: {  	_ = 	snop;
	(pc) =	sbr.rel .LBB1_4-.Ltmp4, $1  }
0x48: {  	_ =	sdelay $0x3  }
.LBB1_6:
0x49: {  	_ =	sfence.sel $0x180000  }
0x4a: {  	s2 =	simm.s32 $0x1;
	[bflag:$0x0] =	sbarrier.arrive $0xFFFF  }
0x4b: {  	s31 =	simm.s32 $0x2;
	[sflag:s2] =	ssyncpa.u1 $0x1  }
0x4c: {  	[sflag:s31] =	ssyncpa.u1 $0x1  }
0x4d: {  	p0 =	sne.s32 s0, $0x0;
	_ =	strace $0x9000004A  }
0x4e: {  	s0 =	sadd.s32 @!p0 $0x100000, s1;
	[bflag:$0x2] =	sbarrier.arrive $0xFFFF  }
0x4f: {  	[sflag:s0] =	ssyncadd.tile.s32 @!p0 $0x1;
	_ =	shalt  }
.Lfunc_end1:
_tile_overlayer_lowered:
.L_overlay_start_2:
0x50: {  	(tag) =	ssettag $0x2  }
0x51: {  	s0 =	rddreg [dreg:$0x0];
	s2 =	stileid.u32  }
0x52: {  	s1 =	rddreg [dreg:$0x1];
	p0 =	sne.s32 s2, $0x0  }
0x53: {  	s3 =	rddreg [dreg:$0x2];
	[bflag:$0x3] =	sbarrier.arrive $0xFFFF;
	s2 =	simm.s32 @!p0 $0x1C01  }
0x54: {  	[timem:s3], [sflag:s2] =	dma.local @!p0 [hbm:s0], s1  }
0x55: {  	s0 =	simm.s32 @!p0 $0x1  }
0x56: {  	_ =	swait.ge @!p0 [sflag:s0], s1  }
0x57: {  	s1 =	ssub.s32 @!p0 $0x0, s1;
	[sflag:s0] =	ssyncset.done @!p0 $0x0  }
0x58: {  	[sflag:s0] =	ssyncadd.s32 @!p0 s1  }
0x59: {  	[bflag:$0x3] =	sbarrier.arrive $0xFFFF  }
0x5a: {  	_ =	shalt  }

</sc_bundles>
